<compile_context>
chip_gen: v7x
topology: tpu7x:2x2x1
jax: 0.10.2.dev20260603
libtpu: 0.0.44.dev20260713+nightly
codegen_flags: <defaults>
</compile_context>

<pallas_src>
import functools

import jax
import jax.numpy as jnp
from jax import lax
from jax.experimental import pallas as pl
from jax.experimental.pallas import tpu as pltpu
from jax.experimental.pallas import tpu_sc as plsc

_VT = 4096


def _sc_gather_all(emb_in, emb_tg, w_lin, b_mat, idx_enc, idx_dec, idx_tgt):
    info = plsc.get_sparse_core_info()
    nw = info.num_cores * info.num_subcores
    nc = info.num_cores
    n_enc = idx_enc.shape[0]
    n_dec = idx_dec.shape[0]
    d = emb_in.shape[1]
    db = b_mat.shape[1]
    ce = n_enc // nw
    cd = n_dec // nw

    mesh = plsc.VectorSubcoreMesh(core_axis_name="c", subcore_axis_name="s")

    @functools.partial(
        pl.kernel,
        mesh=mesh,
        compiler_params=pltpu.CompilerParams(use_tc_tiling_on_sc=False),
        out_type=[
            jax.ShapeDtypeStruct((n_enc, d), jnp.float32),
            jax.ShapeDtypeStruct((n_dec, d), jnp.float32),
            jax.ShapeDtypeStruct((n_dec, d), jnp.float32),
            jax.ShapeDtypeStruct((n_dec, db), jnp.float32),
        ],
        scratch_types=[
            pltpu.VMEM((ce,), jnp.int32),
            pltpu.VMEM((cd,), jnp.int32),
            pltpu.VMEM((cd,), jnp.int32),
            pltpu.VMEM((ce, d), jnp.float32),
            pltpu.VMEM((cd, d), jnp.float32),
            pltpu.VMEM((cd, d), jnp.float32),
            pltpu.VMEM((cd, db), jnp.float32),
            pltpu.SemaphoreType.DMA,
        ],
    )
    def gather_kernel(emb_in_h, emb_tg_h, w_lin_h, b_mat_h,
                      idx_enc_h, idx_dec_h, idx_tgt_h,
                      enc_o, dec_o, wr_o, br_o,
                      ie_v, id_v, it_v, re_v, rd_v, rw_v, rb_v, sem):
        wid = lax.axis_index("s") * nc + lax.axis_index("c")
        be = wid * ce
        bd = wid * cd
        pltpu.sync_copy(idx_enc_h.at[pl.ds(be, ce)], ie_v)
        pltpu.sync_copy(idx_dec_h.at[pl.ds(bd, cd)], id_v)
        pltpu.sync_copy(idx_tgt_h.at[pl.ds(bd, cd)], it_v)
        pltpu.async_copy(emb_in_h.at[ie_v], re_v, sem).wait()
        pltpu.async_copy(emb_tg_h.at[id_v], rd_v, sem).wait()
        pltpu.async_copy(w_lin_h.at[it_v], rw_v, sem).wait()
        pltpu.async_copy(b_mat_h.at[it_v], rb_v, sem).wait()
        pltpu.sync_copy(re_v, enc_o.at[pl.ds(be, ce)])
        pltpu.sync_copy(rd_v, dec_o.at[pl.ds(bd, cd)])
        pltpu.sync_copy(rw_v, wr_o.at[pl.ds(bd, cd)])
        pltpu.sync_copy(rb_v, br_o.at[pl.ds(bd, cd)])

    return gather_kernel(emb_in, emb_tg, w_lin, b_mat,
                         idx_enc, idx_dec, idx_tgt)


def _lstm_body(enc_ref, dec_ref, wr_ref, bv_ref,
               wih_i_ref, whh_i_ref, bi_ref, wih_t_ref, whh_t_ref, bt_ref,
               h_out_ref, tsum_ref):
    n_enc = enc_ref.shape[0]
    n_dec = dec_ref.shape[0]
    batch = enc_ref.shape[1]
    hd = enc_ref.shape[2]

    def cell(x, h, c, wih, whh, b):
        gates = (jnp.dot(x, wih, preferred_element_type=jnp.float32)
                 + jnp.dot(h, whh, preferred_element_type=jnp.float32) + b)
        i = jax.nn.sigmoid(gates[:, 0 * hd:1 * hd])
        f = jax.nn.sigmoid(gates[:, 1 * hd:2 * hd])
        g = jnp.tanh(gates[:, 2 * hd:3 * hd])
        o = jax.nn.sigmoid(gates[:, 3 * hd:4 * hd])
        c = f * c + i * g
        h = o * jnp.tanh(c)
        return h, c

    wih_i = wih_i_ref[:]
    whh_i = whh_i_ref[:]
    bi = bi_ref[:]
    wih_t = wih_t_ref[:]
    whh_t = whh_t_ref[:]
    bt = bt_ref[:]

    def enc_step(t, carry):
        h, c = carry
        return cell(enc_ref[t], h, c, wih_i, whh_i, bi)

    z = jnp.zeros((batch, hd), dtype=jnp.float32)
    h, c = lax.fori_loop(0, n_enc, enc_step, (z, z))

    def dec_step(t, carry):
        h, c, acc = carry
        h, c = cell(dec_ref[t], h, c, wih_t, whh_t, bt)
        h_out_ref[t] = h.astype(jnp.bfloat16)
        tl = jnp.sum(h * wr_ref[t], axis=1) + bv_ref[t]
        return h, c, acc + jnp.sum(tl)

    h, c, acc = lax.fori_loop(0, n_dec, dec_step,
                              (h, c, jnp.float32(0.0)))
    tsum_ref[:] = jnp.reshape(acc, (1, 1))


def _run_lstm(enc_emb, dec_emb, w_rows, b_vals,
              wih_i, whh_i, bi, wih_t, whh_t, bt):
    n_dec, batch, hd = dec_emb.shape
    return pl.pallas_call(
        _lstm_body,
        out_shape=[
            jax.ShapeDtypeStruct((n_dec, batch, hd), jnp.bfloat16),
            jax.ShapeDtypeStruct((1, 1), jnp.float32),
        ],
    )(enc_emb, dec_emb, w_rows, b_vals, wih_i, whh_i, bi, wih_t, whh_t, bt)


def _lse_body(h_ref, w_ref, b_ref, tsum_ref, out_ref, s_ref, *, num_v, rt,
              inv_batch):
    v = pl.program_id(0)
    r = pl.program_id(1)
    h = h_ref[:]
    vt = w_ref.shape[0]
    ck = 1024
    part = jnp.zeros((rt,), dtype=jnp.float32)
    for k in range(vt // ck):
        logits = lax.dot_general(
            h, w_ref[k * ck:(k + 1) * ck, :], (((1,), (1,)), ((), ())),
            preferred_element_type=jnp.float32)
        part = part + jnp.sum(jnp.exp(logits + b_ref[:, k * ck:(k + 1) * ck]),
                              axis=1)
    part = part.reshape(rt // 128, 128)

    @pl.when(jnp.logical_and(v == 0, r == 0))
    def _():
        out_ref[:] = -tsum_ref[:] * inv_batch

    @pl.when(v == 0)
    def _():
        s_ref[r] = part

    @pl.when(v > 0)
    def _():
        s_ref[r] = s_ref[r] + part

    @pl.when(v == num_v - 1)
    def _():
        lse = jnp.log(s_ref[r])
        out_ref[:] = out_ref[:] + jnp.sum(lse, keepdims=True).reshape(1, 1) * inv_batch


def _run_lse(h_bf, w_bf, b_pad, tsum, batch):
    n_rows = h_bf.shape[0]
    vp = w_bf.shape[0]
    vt = _VT
    rt = 1024
    num_v = vp // vt
    num_r = n_rows // rt
    body = functools.partial(_lse_body, num_v=num_v, rt=rt,
                             inv_batch=1.0 / batch)
    return pl.pallas_call(
        body,
        grid=(num_v, num_r),
        in_specs=[
            pl.BlockSpec((rt, h_bf.shape[1]), lambda v, r: (r, 0)),
            pl.BlockSpec((vt, w_bf.shape[1]), lambda v, r: (v, 0)),
            pl.BlockSpec((1, vt), lambda v, r: (0, v)),
            pl.BlockSpec((1, 1), lambda v, r: (0, 0)),
        ],
        out_specs=pl.BlockSpec((1, 1), lambda v, r: (0, 0)),
        out_shape=jax.ShapeDtypeStruct((1, 1), jnp.float32),
        scratch_shapes=[pltpu.VMEM((num_r, rt // 128, 128), jnp.float32)],
    )(h_bf, w_bf, b_pad, tsum)


def kernel(input_lines, target_lines, embed_input, embed_target,
           W_ih_in, W_hh_in, b_ih_in, b_hh_in,
           W_ih_tg, W_hh_tg, b_ih_tg, b_hh_tg,
           W_lin, b_lin):
    s_in, batch = input_lines.shape
    s_out = target_lines.shape[0]
    t_dec = s_out - 1
    hd = embed_input.shape[1]
    v = W_lin.shape[0]

    idx_enc = input_lines.reshape(-1)
    idx_dec = target_lines[:t_dec].reshape(-1)
    idx_tgt = target_lines[1:].reshape(-1)

    b_mat = jnp.broadcast_to(b_lin[:, None], (v, 16))

    enc_emb, dec_emb, w_rows, b_rows = _sc_gather_all(
        embed_input, embed_target, W_lin, b_mat, idx_enc, idx_dec, idx_tgt)

    enc_emb = enc_emb.reshape(s_in, batch, hd)
    dec_emb = dec_emb.reshape(t_dec, batch, hd)
    w_rows = w_rows.reshape(t_dec, batch, hd)
    b_vals = b_rows[:, 0].reshape(t_dec, batch)

    h_bf, tsum = _run_lstm(
        enc_emb, dec_emb, w_rows, b_vals,
        W_ih_in.T, W_hh_in.T, (b_ih_in + b_hh_in)[None, :],
        W_ih_tg.T, W_hh_tg.T, (b_ih_tg + b_hh_tg)[None, :])

    vt = _VT
    vp = ((v + vt - 1) // vt) * vt
    w_bf = jnp.pad(W_lin.astype(jnp.bfloat16), ((0, vp - v), (0, 0)))
    b_pad = jnp.pad(b_lin, (0, vp - v), constant_values=-1e30).reshape(1, vp)

    loss = _run_lse(h_bf.reshape(t_dec * batch, hd), w_bf, b_pad, tsum, batch)
    return loss.reshape(())

# --- scband reference (transcript-rebuilt; emitter-appended) ---
"""Pipeline reference for scband-encoder-decoder-79276506349699 (READ-ONLY COPY).

The authoritative reference and input builder live on the scoring server;
editing this copy changes nothing except your own understanding.
"""

import jax, jax.numpy as jnp
import numpy as np


def _lstm_cell(x, hx, cx, W_ih, W_hh, b_ih, b_hh):
    gates = x @ W_ih.T + b_ih + hx @ W_hh.T + b_hh
    i, f, g, o = jnp.split(gates, 4, axis=-1)
    i = jax.nn.sigmoid(i)
    f = jax.nn.sigmoid(f)
    g = jnp.tanh(g)
    o = jax.nn.sigmoid(o)
    c = f * cx + i * g
    h = o * jnp.tanh(c)
    return h, c


def _cross_entropy_mean(logits, targets):
    logp = jax.nn.log_softmax(logits, axis=-1)
    nll = -jnp.take_along_axis(logp, targets[:, None], axis=1)[:, 0]
    return jnp.mean(nll)


def setup_inputs(seed: int = 0) -> dict:
    key = jax.random.key(seed)
    ks = jax.random.split(key, 16)
    input_size = 100000
    output_size = 100000
    hidden_size = 64
    seq_in, seq_out, batch = 20, 20, 1024
    input_lines = jax.random.randint(ks[0], (seq_in, batch), 0, input_size, dtype=jnp.int64 if jax.config.read('jax_enable_x64') else jnp.int32).astype(jnp.int32)
    target_lines = jax.random.randint(ks[1], (seq_out, batch), 0, output_size, dtype=jnp.int32)
    k = 1.0 / np.sqrt(hidden_size)
    embed_input = (jax.random.normal(ks[2], (input_size, hidden_size), dtype=jnp.float32)).at[0].set(0.0)
    embed_target = (jax.random.normal(ks[3], (output_size, hidden_size), dtype=jnp.float32)).at[0].set(0.0)
    W_ih_in = jax.random.uniform(ks[4], (4 * hidden_size, hidden_size), minval=-k, maxval=k, dtype=jnp.float32)
    W_hh_in = jax.random.uniform(ks[5], (4 * hidden_size, hidden_size), minval=-k, maxval=k, dtype=jnp.float32)
    b_ih_in = jax.random.uniform(ks[6], (4 * hidden_size,), minval=-k, maxval=k, dtype=jnp.float32)
    b_hh_in = jax.random.uniform(ks[7], (4 * hidden_size,), minval=-k, maxval=k, dtype=jnp.float32)
    W_ih_tg = jax.random.uniform(ks[8], (4 * hidden_size, hidden_size), minval=-k, maxval=k, dtype=jnp.float32)
    W_hh_tg = jax.random.uniform(ks[9], (4 * hidden_size, hidden_size), minval=-k, maxval=k, dtype=jnp.float32)
    b_ih_tg = jax.random.uniform(ks[10], (4 * hidden_size,), minval=-k, maxval=k, dtype=jnp.float32)
    b_hh_tg = jax.random.uniform(ks[11], (4 * hidden_size,), minval=-k, maxval=k, dtype=jnp.float32)
    W_lin = jax.random.uniform(ks[12], (output_size, hidden_size), minval=-k, maxval=k, dtype=jnp.float32)
    b_lin = jax.random.uniform(ks[13], (output_size,), minval=-k, maxval=k, dtype=jnp.float32)
    return {
        'input_lines': input_lines, 'target_lines': target_lines,
        'embed_input': embed_input, 'embed_target': embed_target,
        'W_ih_in': W_ih_in, 'W_hh_in': W_hh_in, 'b_ih_in': b_ih_in, 'b_hh_in': b_hh_in,
        'W_ih_tg': W_ih_tg, 'W_hh_tg': W_hh_tg, 'b_ih_tg': b_ih_tg, 'b_hh_tg': b_hh_tg,
        'W_lin': W_lin, 'b_lin': b_lin,
    }


def reference(input_lines, target_lines, embed_input, embed_target,
              W_ih_in, W_hh_in, b_ih_in, b_hh_in,
              W_ih_tg, W_hh_tg, b_ih_tg, b_hh_tg,
              W_lin, b_lin):
    batch = input_lines.shape[1]
    hidden_size = embed_input.shape[1]
    hx = jnp.zeros((batch, hidden_size), dtype=jnp.float32)
    cx = jnp.zeros((batch, hidden_size), dtype=jnp.float32)
    # Encoder: embed each timestep and step the input LSTM cell
    for t in range(input_lines.shape[0]):
        input_k = jnp.take(embed_input, input_lines[t], axis=0)
        hx, cx = _lstm_cell(input_k, hx, cx, W_ih_in, W_hh_in, b_ih_in, b_hh_in)
    # Decoder with teacher forcing: padding_num == target seq length
    padding_num = target_lines.shape[0]
    target_not_last = target_lines[: padding_num - 1]
    target_next = target_lines[1:]
    loss = jnp.zeros((), dtype=jnp.float32)
    for t in range(padding_num - 1):
        target_k = jnp.take(embed_target, target_not_last[t], axis=0)
        hx, cx = _lstm_cell(target_k, hx, cx, W_ih_tg, W_hh_tg, b_ih_tg, b_hh_tg)
        logits = hx @ W_lin.T + b_lin
        loss = loss + _cross_entropy_mean(logits, target_next[t])
    return loss

if __name__ == "__main__":
    import jax
    _d = setup_inputs()
    print(jax.jit(kernel)(*tuple(_d.values())))

</pallas_src>

<mosaic_0001>
#map = affine_map<(d0, d1) -> (0, 0)>
#map1 = affine_map<(d0, d1) -> (0)>
module attributes {stable_mosaic.version = 14 : i64} {
  func.func @gather_kernel(%arg0: i32, %arg1: i32, %arg2: memref<100000x64xf32, #tpu.memory_space<hbm>>, %arg3: memref<100000x64xf32, #tpu.memory_space<hbm>>, %arg4: memref<100000x64xf32, #tpu.memory_space<hbm>>, %arg5: memref<100000x16xf32, #tpu.memory_space<hbm>>, %arg6: memref<20480xi32, #tpu.memory_space<hbm>>, %arg7: memref<19456xi32, #tpu.memory_space<hbm>>, %arg8: memref<19456xi32, #tpu.memory_space<hbm>>, %arg9: memref<20480x64xf32, #tpu.memory_space<hbm>>, %arg10: memref<19456x64xf32, #tpu.memory_space<hbm>>, %arg11: memref<19456x64xf32, #tpu.memory_space<hbm>>, %arg12: memref<19456x16xf32, #tpu.memory_space<hbm>>, %arg13: memref<640xi32, #tpu.memory_space<vmem>>, %arg14: memref<608xi32, #tpu.memory_space<vmem>>, %arg15: memref<608xi32, #tpu.memory_space<vmem>>, %arg16: memref<640x64xf32, #tpu.memory_space<vmem>>, %arg17: memref<608x64xf32, #tpu.memory_space<vmem>>, %arg18: memref<608x64xf32, #tpu.memory_space<vmem>>, %arg19: memref<608x16xf32, #tpu.memory_space<vmem>>, %arg20: memref<!tpu.dma_semaphore, #tpu.memory_space<semaphore_mem>>) attributes {dimension_semantics = [#tpu.dimension_semantics<core_parallel>, #tpu.dimension_semantics<subcore_parallel>], iteration_bounds = array<i64: 2, 16>, scalar_prefetch = 0 : i64, scratch_operands = 8 : i64, tpu.core_type = #tpu.core_type<sc_vector_subcore>, window_params = [{transform_indices = #map}, {transform_indices = #map}, {transform_indices = #map}, {transform_indices = #map}, {transform_indices = #map1}, {transform_indices = #map1}, {transform_indices = #map1}, {transform_indices = #map}, {transform_indices = #map}, {transform_indices = #map}, {transform_indices = #map}]} {
    %mul3A = arith.constant 2 : i32
    %mul3A_0 = arith.muli %arg1, %mul3A : i32
    %add3A = arith.addi %mul3A_0, %arg0 : i32
    %mul3A_1 = arith.constant 640 : i32
    %mul3A_2 = arith.muli %add3A, %mul3A_1 : i32
    %mul3A_3 = arith.constant 608 : i32
    %mul3A_4 = arith.muli %add3A, %mul3A_3 : i32
    "tpu.region"() ({
      %run_scoped3A = tpu.sem_alloc : memref<!tpu.dma_semaphore, #tpu.memory_space<semaphore_mem>>
      %dma_start3A_27 = tpu.memref_slice %arg6[%mul3A_2] : memref<20480xi32, #tpu.memory_space<hbm>> -> memref<640xi32, #tpu.memory_space<hbm>>
      %dma_start3A_28 = tpu.memref_slice %arg6[%mul3A_2] : memref<20480xi32, #tpu.memory_space<hbm>> -> memref<640xi32, #tpu.memory_space<hbm>>
      tpu.enqueue_dma source(%dma_start3A_28 : memref<640xi32, #tpu.memory_space<hbm>>) target(%arg13 : memref<640xi32, #tpu.memory_space<vmem>>) target_semaphore(%run_scoped3A : memref<!tpu.dma_semaphore, #tpu.memory_space<semaphore_mem>>)
      %dma_wait3A_29 = tpu.memref_slice %arg6[%mul3A_2] : memref<20480xi32, #tpu.memory_space<hbm>> -> memref<640xi32, #tpu.memory_space<hbm>>
      %dma_wait3A_30 = tpu.memref_slice %arg6[%mul3A_2] : memref<20480xi32, #tpu.memory_space<hbm>> -> memref<640xi32, #tpu.memory_space<hbm>>
      tpu.wait_dma2 semaphore(%run_scoped3A : memref<!tpu.dma_semaphore, #tpu.memory_space<semaphore_mem>>) src(%dma_wait3A_30 : memref<640xi32, #tpu.memory_space<hbm>>) dst(%arg13 : memref<640xi32, #tpu.memory_space<vmem>>)
      tpu.yield
    }) : () -> ()
    "tpu.region"() ({
      %run_scoped3A = tpu.sem_alloc : memref<!tpu.dma_semaphore, #tpu.memory_space<semaphore_mem>>
      %dma_start3A_27 = tpu.memref_slice %arg7[%mul3A_4] : memref<19456xi32, #tpu.memory_space<hbm>> -> memref<608xi32, #tpu.memory_space<hbm>>
      %dma_start3A_28 = tpu.memref_slice %arg7[%mul3A_4] : memref<19456xi32, #tpu.memory_space<hbm>> -> memref<608xi32, #tpu.memory_space<hbm>>
      tpu.enqueue_dma source(%dma_start3A_28 : memref<608xi32, #tpu.memory_space<hbm>>) target(%arg14 : memref<608xi32, #tpu.memory_space<vmem>>) target_semaphore(%run_scoped3A : memref<!tpu.dma_semaphore, #tpu.memory_space<semaphore_mem>>)
      %dma_wait3A_29 = tpu.memref_slice %arg7[%mul3A_4] : memref<19456xi32, #tpu.memory_space<hbm>> -> memref<608xi32, #tpu.memory_space<hbm>>
      %dma_wait3A_30 = tpu.memref_slice %arg7[%mul3A_4] : memref<19456xi32, #tpu.memory_space<hbm>> -> memref<608xi32, #tpu.memory_space<hbm>>
      tpu.wait_dma2 semaphore(%run_scoped3A : memref<!tpu.dma_semaphore, #tpu.memory_space<semaphore_mem>>) src(%dma_wait3A_30 : memref<608xi32, #tpu.memory_space<hbm>>) dst(%arg14 : memref<608xi32, #tpu.memory_space<vmem>>)
      tpu.yield
    }) : () -> ()
    "tpu.region"() ({
      %run_scoped3A = tpu.sem_alloc : memref<!tpu.dma_semaphore, #tpu.memory_space<semaphore_mem>>
      %dma_start3A_27 = tpu.memref_slice %arg8[%mul3A_4] : memref<19456xi32, #tpu.memory_space<hbm>> -> memref<608xi32, #tpu.memory_space<hbm>>
      %dma_start3A_28 = tpu.memref_slice %arg8[%mul3A_4] : memref<19456xi32, #tpu.memory_space<hbm>> -> memref<608xi32, #tpu.memory_space<hbm>>
      tpu.enqueue_dma source(%dma_start3A_28 : memref<608xi32, #tpu.memory_space<hbm>>) target(%arg15 : memref<608xi32, #tpu.memory_space<vmem>>) target_semaphore(%run_scoped3A : memref<!tpu.dma_semaphore, #tpu.memory_space<semaphore_mem>>)
      %dma_wait3A_29 = tpu.memref_slice %arg8[%mul3A_4] : memref<19456xi32, #tpu.memory_space<hbm>> -> memref<608xi32, #tpu.memory_space<hbm>>
      %dma_wait3A_30 = tpu.memref_slice %arg8[%mul3A_4] : memref<19456xi32, #tpu.memory_space<hbm>> -> memref<608xi32, #tpu.memory_space<hbm>>
      tpu.wait_dma2 semaphore(%run_scoped3A : memref<!tpu.dma_semaphore, #tpu.memory_space<semaphore_mem>>) src(%dma_wait3A_30 : memref<608xi32, #tpu.memory_space<hbm>>) dst(%arg15 : memref<608xi32, #tpu.memory_space<vmem>>)
      tpu.yield
    }) : () -> ()
    %dma_start3A = arith.constant 0 : i32
    %dma_start3A_5 = arith.constant 0 : i32
    %dma_start3A_6 = tpu.memref_slice %arg2[%dma_start3A, %dma_start3A_5] : memref<100000x64xf32, #tpu.memory_space<hbm>> -> memref<100000x64xf32, #tpu.memory_space<hbm>>
    tpu.enqueue_indirect_dma source(%dma_start3A_6 : memref<100000x64xf32, #tpu.memory_space<hbm>>) target(%arg16 : memref<640x64xf32, #tpu.memory_space<vmem>>) offsets(%arg13 : memref<640xi32, #tpu.memory_space<vmem>>) semaphore(%arg20 : memref<!tpu.dma_semaphore, #tpu.memory_space<semaphore_mem>>)
    %dma_wait3A = arith.constant 0 : i32
    %dma_wait3A_7 = arith.constant 0 : i32
    %dma_wait3A_8 = tpu.memref_slice %arg2[%dma_wait3A, %dma_wait3A_7] : memref<100000x64xf32, #tpu.memory_space<hbm>> -> memref<100000x64xf32, #tpu.memory_space<hbm>>
    tpu.wait_indirect_dma semaphore(%arg20 : memref<!tpu.dma_semaphore, #tpu.memory_space<semaphore_mem>>) src(%dma_wait3A_8 : memref<100000x64xf32, #tpu.memory_space<hbm>>) dst(%arg16 : memref<640x64xf32, #tpu.memory_space<vmem>>)
    %dma_start3A_9 = arith.constant 0 : i32
    %dma_start3A_10 = arith.constant 0 : i32
    %dma_start3A_11 = tpu.memref_slice %arg3[%dma_start3A_9, %dma_start3A_10] : memref<100000x64xf32, #tpu.memory_space<hbm>> -> memref<100000x64xf32, #tpu.memory_space<hbm>>
    tpu.enqueue_indirect_dma source(%dma_start3A_11 : memref<100000x64xf32, #tpu.memory_space<hbm>>) target(%arg17 : memref<608x64xf32, #tpu.memory_space<vmem>>) offsets(%arg14 : memref<608xi32, #tpu.memory_space<vmem>>) semaphore(%arg20 : memref<!tpu.dma_semaphore, #tpu.memory_space<semaphore_mem>>)
    %dma_wait3A_12 = arith.constant 0 : i32
    %dma_wait3A_13 = arith.constant 0 : i32
    %dma_wait3A_14 = tpu.memref_slice %arg3[%dma_wait3A_12, %dma_wait3A_13] : memref<100000x64xf32, #tpu.memory_space<hbm>> -> memref<100000x64xf32, #tpu.memory_space<hbm>>
    tpu.wait_indirect_dma semaphore(%arg20 : memref<!tpu.dma_semaphore, #tpu.memory_space<semaphore_mem>>) src(%dma_wait3A_14 : memref<100000x64xf32, #tpu.memory_space<hbm>>) dst(%arg17 : memref<608x64xf32, #tpu.memory_space<vmem>>)
    %dma_start3A_15 = arith.constant 0 : i32
    %dma_start3A_16 = arith.constant 0 : i32
    %dma_start3A_17 = tpu.memref_slice %arg4[%dma_start3A_15, %dma_start3A_16] : memref<100000x64xf32, #tpu.memory_space<hbm>> -> memref<100000x64xf32, #tpu.memory_space<hbm>>
    tpu.enqueue_indirect_dma source(%dma_start3A_17 : memref<100000x64xf32, #tpu.memory_space<hbm>>) target(%arg18 : memref<608x64xf32, #tpu.memory_space<vmem>>) offsets(%arg15 : memref<608xi32, #tpu.memory_space<vmem>>) semaphore(%arg20 : memref<!tpu.dma_semaphore, #tpu.memory_space<semaphore_mem>>)
    %dma_wait3A_18 = arith.constant 0 : i32
    %dma_wait3A_19 = arith.constant 0 : i32
    %dma_wait3A_20 = tpu.memref_slice %arg4[%dma_wait3A_18, %dma_wait3A_19] : memref<100000x64xf32, #tpu.memory_space<hbm>> -> memref<100000x64xf32, #tpu.memory_space<hbm>>
    tpu.wait_indirect_dma semaphore(%arg20 : memref<!tpu.dma_semaphore, #tpu.memory_space<semaphore_mem>>) src(%dma_wait3A_20 : memref<100000x64xf32, #tpu.memory_space<hbm>>) dst(%arg18 : memref<608x64xf32, #tpu.memory_space<vmem>>)
    %dma_start3A_21 = arith.constant 0 : i32
    %dma_start3A_22 = arith.constant 0 : i32
    %dma_start3A_23 = tpu.memref_slice %arg5[%dma_start3A_21, %dma_start3A_22] : memref<100000x16xf32, #tpu.memory_space<hbm>> -> memref<100000x16xf32, #tpu.memory_space<hbm>>
    tpu.enqueue_indirect_dma source(%dma_start3A_23 : memref<100000x16xf32, #tpu.memory_space<hbm>>) target(%arg19 : memref<608x16xf32, #tpu.memory_space<vmem>>) offsets(%arg15 : memref<608xi32, #tpu.memory_space<vmem>>) semaphore(%arg20 : memref<!tpu.dma_semaphore, #tpu.memory_space<semaphore_mem>>)
    %dma_wait3A_24 = arith.constant 0 : i32
    %dma_wait3A_25 = arith.constant 0 : i32
    %dma_wait3A_26 = tpu.memref_slice %arg5[%dma_wait3A_24, %dma_wait3A_25] : memref<100000x16xf32, #tpu.memory_space<hbm>> -> memref<100000x16xf32, #tpu.memory_space<hbm>>
    tpu.wait_indirect_dma semaphore(%arg20 : memref<!tpu.dma_semaphore, #tpu.memory_space<semaphore_mem>>) src(%dma_wait3A_26 : memref<100000x16xf32, #tpu.memory_space<hbm>>) dst(%arg19 : memref<608x16xf32, #tpu.memory_space<vmem>>)
    "tpu.region"() ({
      %run_scoped3A = tpu.sem_alloc : memref<!tpu.dma_semaphore, #tpu.memory_space<semaphore_mem>>
      %dma_start3A_27 = arith.constant 0 : i32
      %dma_start3A_28 = tpu.memref_slice %arg9[%mul3A_2, %dma_start3A_27] : memref<20480x64xf32, #tpu.memory_space<hbm>> -> memref<640x64xf32, #tpu.memory_space<hbm>>
      %dma_start3A_29 = arith.constant 0 : i32
      %dma_start3A_30 = tpu.memref_slice %arg9[%mul3A_2, %dma_start3A_29] : memref<20480x64xf32, #tpu.memory_space<hbm>> -> memref<640x64xf32, #tpu.memory_space<hbm>>
      tpu.enqueue_dma source(%arg16 : memref<640x64xf32, #tpu.memory_space<vmem>>) target(%dma_start3A_30 : memref<640x64xf32, #tpu.memory_space<hbm>>) target_semaphore(%run_scoped3A : memref<!tpu.dma_semaphore, #tpu.memory_space<semaphore_mem>>)
      %dma_wait3A_31 = arith.constant 0 : i32
      %dma_wait3A_32 = tpu.memref_slice %arg9[%mul3A_2, %dma_wait3A_31] : memref<20480x64xf32, #tpu.memory_space<hbm>> -> memref<640x64xf32, #tpu.memory_space<hbm>>
      %dma_wait3A_33 = arith.constant 0 : i32
      %dma_wait3A_34 = tpu.memref_slice %arg9[%mul3A_2, %dma_wait3A_33] : memref<20480x64xf32, #tpu.memory_space<hbm>> -> memref<640x64xf32, #tpu.memory_space<hbm>>
      tpu.wait_dma2 semaphore(%run_scoped3A : memref<!tpu.dma_semaphore, #tpu.memory_space<semaphore_mem>>) src(%arg16 : memref<640x64xf32, #tpu.memory_space<vmem>>) dst(%dma_wait3A_34 : memref<640x64xf32, #tpu.memory_space<hbm>>)
      tpu.yield
    }) : () -> ()
    "tpu.region"() ({
      %run_scoped3A = tpu.sem_alloc : memref<!tpu.dma_semaphore, #tpu.memory_space<semaphore_mem>>
      %dma_start3A_27 = arith.constant 0 : i32
      %dma_start3A_28 = tpu.memref_slice %arg10[%mul3A_4, %dma_start3A_27] : memref<19456x64xf32, #tpu.memory_space<hbm>> -> memref<608x64xf32, #tpu.memory_space<hbm>>
      %dma_start3A_29 = arith.constant 0 : i32
      %dma_start3A_30 = tpu.memref_slice %arg10[%mul3A_4, %dma_start3A_29] : memref<19456x64xf32, #tpu.memory_space<hbm>> -> memref<608x64xf32, #tpu.memory_space<hbm>>
      tpu.enqueue_dma source(%arg17 : memref<608x64xf32, #tpu.memory_space<vmem>>) target(%dma_start3A_30 : memref<608x64xf32, #tpu.memory_space<hbm>>) target_semaphore(%run_scoped3A : memref<!tpu.dma_semaphore, #tpu.memory_space<semaphore_mem>>)
      %dma_wait3A_31 = arith.constant 0 : i32
      %dma_wait3A_32 = tpu.memref_slice %arg10[%mul3A_4, %dma_wait3A_31] : memref<19456x64xf32, #tpu.memory_space<hbm>> -> memref<608x64xf32, #tpu.memory_space<hbm>>
      %dma_wait3A_33 = arith.constant 0 : i32
      %dma_wait3A_34 = tpu.memref_slice %arg10[%mul3A_4, %dma_wait3A_33] : memref<19456x64xf32, #tpu.memory_space<hbm>> -> memref<608x64xf32, #tpu.memory_space<hbm>>
      tpu.wait_dma2 semaphore(%run_scoped3A : memref<!tpu.dma_semaphore, #tpu.memory_space<semaphore_mem>>) src(%arg17 : memref<608x64xf32, #tpu.memory_space<vmem>>) dst(%dma_wait3A_34 : memref<608x64xf32, #tpu.memory_space<hbm>>)
      tpu.yield
    }) : () -> ()
    "tpu.region"() ({
      %run_scoped3A = tpu.sem_alloc : memref<!tpu.dma_semaphore, #tpu.memory_space<semaphore_mem>>
      %dma_start3A_27 = arith.constant 0 : i32
      %dma_start3A_28 = tpu.memref_slice %arg11[%mul3A_4, %dma_start3A_27] : memref<19456x64xf32, #tpu.memory_space<hbm>> -> memref<608x64xf32, #tpu.memory_space<hbm>>
      %dma_start3A_29 = arith.constant 0 : i32
      %dma_start3A_30 = tpu.memref_slice %arg11[%mul3A_4, %dma_start3A_29] : memref<19456x64xf32, #tpu.memory_space<hbm>> -> memref<608x64xf32, #tpu.memory_space<hbm>>
      tpu.enqueue_dma source(%arg18 : memref<608x64xf32, #tpu.memory_space<vmem>>) target(%dma_start3A_30 : memref<608x64xf32, #tpu.memory_space<hbm>>) target_semaphore(%run_scoped3A : memref<!tpu.dma_semaphore, #tpu.memory_space<semaphore_mem>>)
      %dma_wait3A_31 = arith.constant 0 : i32
      %dma_wait3A_32 = tpu.memref_slice %arg11[%mul3A_4, %dma_wait3A_31] : memref<19456x64xf32, #tpu.memory_space<hbm>> -> memref<608x64xf32, #tpu.memory_space<hbm>>
      %dma_wait3A_33 = arith.constant 0 : i32
      %dma_wait3A_34 = tpu.memref_slice %arg11[%mul3A_4, %dma_wait3A_33] : memref<19456x64xf32, #tpu.memory_space<hbm>> -> memref<608x64xf32, #tpu.memory_space<hbm>>
      tpu.wait_dma2 semaphore(%run_scoped3A : memref<!tpu.dma_semaphore, #tpu.memory_space<semaphore_mem>>) src(%arg18 : memref<608x64xf32, #tpu.memory_space<vmem>>) dst(%dma_wait3A_34 : memref<608x64xf32, #tpu.memory_space<hbm>>)
      tpu.yield
    }) : () -> ()
    "tpu.region"() ({
      %run_scoped3A = tpu.sem_alloc : memref<!tpu.dma_semaphore, #tpu.memory_space<semaphore_mem>>
      %dma_start3A_27 = arith.constant 0 : i32
      %dma_start3A_28 = tpu.memref_slice %arg12[%mul3A_4, %dma_start3A_27] : memref<19456x16xf32, #tpu.memory_space<hbm>> -> memref<608x16xf32, #tpu.memory_space<hbm>>
      %dma_start3A_29 = arith.constant 0 : i32
      %dma_start3A_30 = tpu.memref_slice %arg12[%mul3A_4, %dma_start3A_29] : memref<19456x16xf32, #tpu.memory_space<hbm>> -> memref<608x16xf32, #tpu.memory_space<hbm>>
      tpu.enqueue_dma source(%arg19 : memref<608x16xf32, #tpu.memory_space<vmem>>) target(%dma_start3A_30 : memref<608x16xf32, #tpu.memory_space<hbm>>) target_semaphore(%run_scoped3A : memref<!tpu.dma_semaphore, #tpu.memory_space<semaphore_mem>>)
      %dma_wait3A_31 = arith.constant 0 : i32
      %dma_wait3A_32 = tpu.memref_slice %arg12[%mul3A_4, %dma_wait3A_31] : memref<19456x16xf32, #tpu.memory_space<hbm>> -> memref<608x16xf32, #tpu.memory_space<hbm>>
      %dma_wait3A_33 = arith.constant 0 : i32
      %dma_wait3A_34 = tpu.memref_slice %arg12[%mul3A_4, %dma_wait3A_33] : memref<19456x16xf32, #tpu.memory_space<hbm>> -> memref<608x16xf32, #tpu.memory_space<hbm>>
      tpu.wait_dma2 semaphore(%run_scoped3A : memref<!tpu.dma_semaphore, #tpu.memory_space<semaphore_mem>>) src(%arg19 : memref<608x16xf32, #tpu.memory_space<vmem>>) dst(%dma_wait3A_34 : memref<608x16xf32, #tpu.memory_space<hbm>>)
      tpu.yield
    }) : () -> ()
    return
  }
}

module attributes {stable_mosaic.version = 14 : i64} {
  func.func @_lstm_body(%arg0: memref<20x1024x64xf32, #tpu.memory_space<vmem>>, %arg1: memref<19x1024x64xf32, #tpu.memory_space<vmem>>, %arg2: memref<19x1024x64xf32, #tpu.memory_space<vmem>>, %arg3: memref<19x1024xf32, #tpu.memory_space<vmem>>, %arg4: memref<64x256xf32, #tpu.memory_space<vmem>>, %arg5: memref<64x256xf32, #tpu.memory_space<vmem>>, %arg6: memref<1x256xf32, #tpu.memory_space<vmem>>, %arg7: memref<64x256xf32, #tpu.memory_space<vmem>>, %arg8: memref<64x256xf32, #tpu.memory_space<vmem>>, %arg9: memref<1x256xf32, #tpu.memory_space<vmem>>, %arg10: memref<19x1024x64xbf16, #tpu.memory_space<vmem>>, %arg11: memref<1x1xf32, #tpu.memory_space<vmem>>) attributes {dimension_semantics = [], scalar_prefetch = 0 : i64, scratch_operands = 0 : i64, tpu.core_type = #tpu.core_type<tc>} {
    %get3A = arith.constant 0 : index
    %get3A_0 = arith.constant 0 : index
    %get3A_1 = vector.load %arg4[%get3A, %get3A_0] : memref<64x256xf32, #tpu.memory_space<vmem>>, vector<64x256xf32>
    %get3A_2 = arith.constant 0 : index
    %get3A_3 = arith.constant 0 : index
    %get3A_4 = vector.load %arg5[%get3A_2, %get3A_3] : memref<64x256xf32, #tpu.memory_space<vmem>>, vector<64x256xf32>
    %get3A_5 = arith.constant 0 : index
    %get3A_6 = arith.constant 0 : index
    %get3A_7 = vector.load %arg6[%get3A_5, %get3A_6] : memref<1x256xf32, #tpu.memory_space<vmem>>, vector<1x256xf32>
    %get3A_8 = arith.constant 0 : index
    %get3A_9 = arith.constant 0 : index
    %get3A_10 = vector.load %arg7[%get3A_8, %get3A_9] : memref<64x256xf32, #tpu.memory_space<vmem>>, vector<64x256xf32>
    %get3A_11 = arith.constant 0 : index
    %get3A_12 = arith.constant 0 : index
    %get3A_13 = vector.load %arg8[%get3A_11, %get3A_12] : memref<64x256xf32, #tpu.memory_space<vmem>>, vector<64x256xf32>
    %get3A_14 = arith.constant 0 : index
    %get3A_15 = arith.constant 0 : index
    %get3A_16 = vector.load %arg9[%get3A_14, %get3A_15] : memref<1x256xf32, #tpu.memory_space<vmem>>, vector<1x256xf32>
    %broadcast_in_dim3A = arith.constant 0.000000e+00 : f32
    %broadcast_in_dim3A_17 = vector.broadcast %broadcast_in_dim3A : f32 to vector<1024x64xf32>
    %scan3A = arith.constant 0 : i32
    %scan3A_18 = arith.constant 20 : i32
    %scan3A_19 = arith.addi %scan3A, %scan3A_18 : i32
    %scan3A_20 = arith.constant 1 : i32
    %scan3A_21:2 = scf.for %scan3A_32 = %scan3A to %scan3A_19 step %scan3A_20 iter_args(%scan3A_33 = %broadcast_in_dim3A_17, %scan3A_34 = %broadcast_in_dim3A_17) -> (vector<1024x64xf32>, vector<1024x64xf32>)  : i32 {
      %get3A_35 = arith.index_cast %scan3A_32 : i32 to index
      %get3A_36 = arith.constant 0 : index
      %get3A_37 = arith.constant 0 : index
      %get3A_38 = vector.load %arg0[%get3A_35, %get3A_36, %get3A_37] : memref<20x1024x64xf32, #tpu.memory_space<vmem>>, vector<1x1024x64xf32>
      %get3A_39 = vector.shape_cast %get3A_38 : vector<1x1024x64xf32> to vector<1024x64xf32>
      %dot_general3A = arith.constant dense<0.000000e+00> : vector<1024x256xf32>
      %dot_general3A_40 = tpu.matmul %get3A_39, %get3A_1, %dot_general3A {dimension_numbers = #tpu.dot_dimension_numbers<[1], [0], [0], [1], [0, 0, 1, 1], [], []>, transpose_lhs_hint = false} : vector<1024x64xf32>, vector<64x256xf32>, vector<1024x256xf32> -> vector<1024x256xf32>
      %dot_general3A_41 = arith.constant dense<0.000000e+00> : vector<1024x256xf32>
      %dot_general3A_42 = tpu.matmul %scan3A_33, %get3A_4, %dot_general3A_41 {dimension_numbers = #tpu.dot_dimension_numbers<[1], [0], [0], [1], [0, 0, 1, 1], [], []>, transpose_lhs_hint = false} : vector<1024x64xf32>, vector<64x256xf32>, vector<1024x256xf32> -> vector<1024x256xf32>
      %add3A = arith.addf %dot_general3A_40, %dot_general3A_42 : vector<1024x256xf32>
      %add3A_43 = vector.broadcast %get3A_7 : vector<1x256xf32> to vector<1024x256xf32>
      %add3A_44 = arith.addf %add3A, %add3A_43 : vector<1024x256xf32>
      %slice3A = vector.extract_strided_slice %add3A_44 {offsets = [0, 0], sizes = [1024, 64], strides = [1, 1]} : vector<1024x256xf32> to vector<1024x64xf32>
      %logistic3A = arith.negf %slice3A : vector<1024x64xf32>
      %logistic3A_45 = math.exp %logistic3A : vector<1024x64xf32>
      %logistic3A_46 = arith.constant 1.000000e+00 : f32
      %logistic3A_47 = vector.broadcast %logistic3A_46 : f32 to vector<1024x64xf32>
      %logistic3A_48 = arith.addf %logistic3A_47, %logistic3A_45 : vector<1024x64xf32>
      %logistic3A_49 = arith.divf %logistic3A_47, %logistic3A_48 : vector<1024x64xf32>
      %slice3A_50 = vector.extract_strided_slice %add3A_44 {offsets = [0, 64], sizes = [1024, 64], strides = [1, 1]} : vector<1024x256xf32> to vector<1024x64xf32>
      %logistic3A_51 = arith.negf %slice3A_50 : vector<1024x64xf32>
      %logistic3A_52 = math.exp %logistic3A_51 : vector<1024x64xf32>
      %logistic3A_53 = arith.constant 1.000000e+00 : f32
      %logistic3A_54 = vector.broadcast %logistic3A_53 : f32 to vector<1024x64xf32>
      %logistic3A_55 = arith.addf %logistic3A_54, %logistic3A_52 : vector<1024x64xf32>
      %logistic3A_56 = arith.divf %logistic3A_54, %logistic3A_55 : vector<1024x64xf32>
      %slice3A_57 = vector.extract_strided_slice %add3A_44 {offsets = [0, 128], sizes = [1024, 64], strides = [1, 1]} : vector<1024x256xf32> to vector<1024x64xf32>
      %tanh3A = math.tanh %slice3A_57 : vector<1024x64xf32>
      %slice3A_58 = vector.extract_strided_slice %add3A_44 {offsets = [0, 192], sizes = [1024, 64], strides = [1, 1]} : vector<1024x256xf32> to vector<1024x64xf32>
      %logistic3A_59 = arith.negf %slice3A_58 : vector<1024x64xf32>
      %logistic3A_60 = math.exp %logistic3A_59 : vector<1024x64xf32>
      %logistic3A_61 = arith.constant 1.000000e+00 : f32
      %logistic3A_62 = vector.broadcast %logistic3A_61 : f32 to vector<1024x64xf32>
      %logistic3A_63 = arith.addf %logistic3A_62, %logistic3A_60 : vector<1024x64xf32>
      %logistic3A_64 = arith.divf %logistic3A_62, %logistic3A_63 : vector<1024x64xf32>
      %mul3A = arith.mulf %logistic3A_56, %scan3A_34 : vector<1024x64xf32>
      %mul3A_65 = arith.mulf %logistic3A_49, %tanh3A : vector<1024x64xf32>
      %add3A_66 = arith.addf %mul3A, %mul3A_65 : vector<1024x64xf32>
      %tanh3A_67 = math.tanh %add3A_66 : vector<1024x64xf32>
      %mul3A_68 = arith.mulf %logistic3A_64, %tanh3A_67 : vector<1024x64xf32>
      scf.yield %mul3A_68, %add3A_66 : vector<1024x64xf32>, vector<1024x64xf32>
    }
    %scan3A_22 = arith.constant 20 : i32
    %scan3A_23 = arith.constant 0.000000e+00 : f32
    %scan3A_24 = arith.constant 0 : i32
    %scan3A_25 = arith.constant 19 : i32
    %scan3A_26 = arith.addi %scan3A_24, %scan3A_25 : i32
    %scan3A_27 = arith.constant 1 : i32
    %scan3A_28:3 = scf.for %scan3A_32 = %scan3A_24 to %scan3A_26 step %scan3A_27 iter_args(%scan3A_33 = %scan3A_21#0, %scan3A_34 = %scan3A_21#1, %scan3A_35 = %scan3A_23) -> (vector<1024x64xf32>, vector<1024x64xf32>, f32)  : i32 {
      %get3A_36 = arith.index_cast %scan3A_32 : i32 to index
      %get3A_37 = arith.constant 0 : index
      %get3A_38 = arith.constant 0 : index
      %get3A_39 = vector.load %arg1[%get3A_36, %get3A_37, %get3A_38] : memref<19x1024x64xf32, #tpu.memory_space<vmem>>, vector<1x1024x64xf32>
      %get3A_40 = vector.shape_cast %get3A_39 : vector<1x1024x64xf32> to vector<1024x64xf32>
      %dot_general3A = arith.constant dense<0.000000e+00> : vector<1024x256xf32>
      %dot_general3A_41 = tpu.matmul %get3A_40, %get3A_10, %dot_general3A {dimension_numbers = #tpu.dot_dimension_numbers<[1], [0], [0], [1], [0, 0, 1, 1], [], []>, transpose_lhs_hint = false} : vector<1024x64xf32>, vector<64x256xf32>, vector<1024x256xf32> -> vector<1024x256xf32>
      %dot_general3A_42 = arith.constant dense<0.000000e+00> : vector<1024x256xf32>
      %dot_general3A_43 = tpu.matmul %scan3A_33, %get3A_13, %dot_general3A_42 {dimension_numbers = #tpu.dot_dimension_numbers<[1], [0], [0], [1], [0, 0, 1, 1], [], []>, transpose_lhs_hint = false} : vector<1024x64xf32>, vector<64x256xf32>, vector<1024x256xf32> -> vector<1024x256xf32>
      %add3A = arith.addf %dot_general3A_41, %dot_general3A_43 : vector<1024x256xf32>
      %add3A_44 = vector.broadcast %get3A_16 : vector<1x256xf32> to vector<1024x256xf32>
      %add3A_45 = arith.addf %add3A, %add3A_44 : vector<1024x256xf32>
      %slice3A = vector.extract_strided_slice %add3A_45 {offsets = [0, 0], sizes = [1024, 64], strides = [1, 1]} : vector<1024x256xf32> to vector<1024x64xf32>
      %logistic3A = arith.negf %slice3A : vector<1024x64xf32>
      %logistic3A_46 = math.exp %logistic3A : vector<1024x64xf32>
      %logistic3A_47 = arith.constant 1.000000e+00 : f32
      %logistic3A_48 = vector.broadcast %logistic3A_47 : f32 to vector<1024x64xf32>
      %logistic3A_49 = arith.addf %logistic3A_48, %logistic3A_46 : vector<1024x64xf32>
      %logistic3A_50 = arith.divf %logistic3A_48, %logistic3A_49 : vector<1024x64xf32>
      %slice3A_51 = vector.extract_strided_slice %add3A_45 {offsets = [0, 64], sizes = [1024, 64], strides = [1, 1]} : vector<1024x256xf32> to vector<1024x64xf32>
      %logistic3A_52 = arith.negf %slice3A_51 : vector<1024x64xf32>
      %logistic3A_53 = math.exp %logistic3A_52 : vector<1024x64xf32>
      %logistic3A_54 = arith.constant 1.000000e+00 : f32
      %logistic3A_55 = vector.broadcast %logistic3A_54 : f32 to vector<1024x64xf32>
      %logistic3A_56 = arith.addf %logistic3A_55, %logistic3A_53 : vector<1024x64xf32>
      %logistic3A_57 = arith.divf %logistic3A_55, %logistic3A_56 : vector<1024x64xf32>
      %slice3A_58 = vector.extract_strided_slice %add3A_45 {offsets = [0, 128], sizes = [1024, 64], strides = [1, 1]} : vector<1024x256xf32> to vector<1024x64xf32>
      %tanh3A = math.tanh %slice3A_58 : vector<1024x64xf32>
      %slice3A_59 = vector.extract_strided_slice %add3A_45 {offsets = [0, 192], sizes = [1024, 64], strides = [1, 1]} : vector<1024x256xf32> to vector<1024x64xf32>
      %logistic3A_60 = arith.negf %slice3A_59 : vector<1024x64xf32>
      %logistic3A_61 = math.exp %logistic3A_60 : vector<1024x64xf32>
      %logistic3A_62 = arith.constant 1.000000e+00 : f32
      %logistic3A_63 = vector.broadcast %logistic3A_62 : f32 to vector<1024x64xf32>
      %logistic3A_64 = arith.addf %logistic3A_63, %logistic3A_61 : vector<1024x64xf32>
      %logistic3A_65 = arith.divf %logistic3A_63, %logistic3A_64 : vector<1024x64xf32>
      %mul3A = arith.mulf %logistic3A_57, %scan3A_34 : vector<1024x64xf32>
      %mul3A_66 = arith.mulf %logistic3A_50, %tanh3A : vector<1024x64xf32>
      %add3A_67 = arith.addf %mul3A, %mul3A_66 : vector<1024x64xf32>
      %tanh3A_68 = math.tanh %add3A_67 : vector<1024x64xf32>
      %mul3A_69 = arith.mulf %logistic3A_65, %tanh3A_68 : vector<1024x64xf32>
      %convert_element_type3A = arith.truncf %mul3A_69 : vector<1024x64xf32> to vector<1024x64xbf16>
      %swap3A_70 = arith.index_cast %scan3A_32 : i32 to index
      %swap3A_71 = arith.constant 0 : index
      %swap3A_72 = arith.constant 0 : index
      %swap3A_73 = vector.load %arg10[%swap3A_70, %swap3A_71, %swap3A_72] : memref<19x1024x64xbf16, #tpu.memory_space<vmem>>, vector<1x1024x64xbf16>
      %swap3A_74 = vector.shape_cast %swap3A_73 : vector<1x1024x64xbf16> to vector<1024x64xbf16>
      %swap3A_75 = vector.shape_cast %convert_element_type3A : vector<1024x64xbf16> to vector<1x1024x64xbf16>
      tpu.vector_store %arg10[%swap3A_70, %swap3A_71, %swap3A_72], %swap3A_75 {strides = array<i32>} : memref<19x1024x64xbf16, #tpu.memory_space<vmem>>, vector<1x1024x64xbf16>,
      %get3A_76 = arith.index_cast %scan3A_32 : i32 to index
      %get3A_77 = arith.constant 0 : index
      %get3A_78 = arith.constant 0 : index
      %get3A_79 = vector.load %arg2[%get3A_76, %get3A_77, %get3A_78] : memref<19x1024x64xf32, #tpu.memory_space<vmem>>, vector<1x1024x64xf32>
      %get3A_80 = vector.shape_cast %get3A_79 : vector<1x1024x64xf32> to vector<1024x64xf32>
      %mul3A_81 = arith.mulf %mul3A_69, %get3A_80 : vector<1024x64xf32>
      %reduce_sum3A = arith.constant dense<0.000000e+00> : vector<1024xf32>
      %reduce_sum3A_82 = vector.multi_reduction <add>, %mul3A_81, %reduce_sum3A [1] : vector<1024x64xf32> to vector<1024xf32>
      %get3A_83 = arith.index_cast %scan3A_32 : i32 to index
      %get3A_84 = arith.constant 0 : index
      %get3A_85 = vector.load %arg3[%get3A_83, %get3A_84] : memref<19x1024xf32, #tpu.memory_space<vmem>>, vector<1x1024xf32>
      %get3A_86 = vector.shape_cast %get3A_85 : vector<1x1024xf32> to vector<1024xf32>
      %add3A_87 = arith.addf %reduce_sum3A_82, %get3A_86 : vector<1024xf32>
      %reduce_sum3A_88 = vector.shape_cast %add3A_87 : vector<1024xf32> to vector<1x1024xf32>
      %reduce_sum3A_89 = arith.constant dense<0.000000e+00> : vector<1xf32>
      %reduce_sum3A_90 = vector.multi_reduction <add>, %reduce_sum3A_88, %reduce_sum3A_89 [1] : vector<1x1024xf32> to vector<1xf32>
      %reduce_sum3A_91 = vector.shape_cast %reduce_sum3A_90 : vector<1xf32> to vector<1x1xf32>
      %reduce_sum3A_92 = vector.extract %reduce_sum3A_91[0, 0] : f32 from vector<1x1xf32>
      %add3A_93 = arith.addf %scan3A_35, %reduce_sum3A_92 : f32
      scf.yield %mul3A_69, %add3A_67, %add3A_93 : vector<1024x64xf32>, vector<1024x64xf32>, f32
    }
    %scan3A_29 = arith.constant 19 : i32
    %reshape3A = vector.broadcast %scan3A_28#2 : f32 to vector<1x1xf32>
    %swap3A = arith.constant 0 : index
    %swap3A_30 = arith.constant 0 : index
    %swap3A_31 = vector.load %arg11[%swap3A, %swap3A_30] : memref<1x1xf32, #tpu.memory_space<vmem>>, vector<1x1xf32>
    tpu.vector_store %arg11[%swap3A, %swap3A_30], %reshape3A {strides = array<i32>} : memref<1x1xf32, #tpu.memory_space<vmem>>, vector<1x1xf32>,
    return
  }
}

module attributes {stable_mosaic.version = 14 : i64} {
  func.func @_lse_body(%arg0: i32, %arg1: i32, %arg2: memref<1024x64xbf16, #tpu.memory_space<vmem>>, %arg3: memref<4096x64xbf16, #tpu.memory_space<vmem>>, %arg4: memref<1x4096xf32, #tpu.memory_space<vmem>>, %arg5: memref<1x1xf32, #tpu.memory_space<vmem>>, %arg6: memref<1x1xf32, #tpu.memory_space<vmem>>, %arg7: memref<19x8x128xf32, #tpu.memory_space<vmem>>) attributes {dimension_semantics = [#tpu.dimension_semantics<arbitrary>, #tpu.dimension_semantics<arbitrary>], iteration_bounds = array<i64: 25, 19>, scalar_prefetch = 0 : i64, scratch_operands = 1 : i64, tpu.core_type = #tpu.core_type<tc>, window_params = [{transform_indices = @transform_0, window_bounds = array<i64: 1024, 64>}, {transform_indices = @transform_1, window_bounds = array<i64: 4096, 64>}, {transform_indices = @transform_2, window_bounds = array<i64: 1, 4096>}, {pipeline_mode = #tpu.pipeline_mode<synchronous>, transform_indices = @transform_3, window_bounds = array<i64: 1, 1>}, {pipeline_mode = #tpu.pipeline_mode<synchronous>, transform_indices = @transform_4, window_bounds = array<i64: 1, 1>}]} {
    %get3A = arith.constant 0 : index
    %get3A_0 = arith.constant 0 : index
    %get3A_1 = vector.load %arg2[%get3A, %get3A_0] : memref<1024x64xbf16, #tpu.memory_space<vmem>>, vector<1024x64xbf16>
    %broadcast_in_dim3A = arith.constant 0.000000e+00 : f32
    %broadcast_in_dim3A_2 = vector.broadcast %broadcast_in_dim3A : f32 to vector<1024xf32>
    %get3A_3 = arith.constant 0 : index
    %get3A_4 = arith.constant 0 : index
    %get3A_5 = vector.load %arg3[%get3A_3, %get3A_4] : memref<4096x64xbf16, #tpu.memory_space<vmem>>, vector<1024x64xbf16>
    %dot_general3A = arith.constant dense<0.000000e+00> : vector<1024x1024xf32>
    %dot_general3A_6 = tpu.matmul %get3A_1, %get3A_5, %dot_general3A {dimension_numbers = #tpu.dot_dimension_numbers<[1], [1], [0], [0], [0, 0, 1, 0], [], []>, transpose_lhs_hint = false} : vector<1024x64xbf16>, vector<1024x64xbf16>, vector<1024x1024xf32> -> vector<1024x1024xf32>
    %get3A_7 = arith.constant 0 : index
    %get3A_8 = arith.constant 0 : index
    %get3A_9 = vector.load %arg4[%get3A_7, %get3A_8] : memref<1x4096xf32, #tpu.memory_space<vmem>>, vector<1x1024xf32>
    %add3A = vector.broadcast %get3A_9 : vector<1x1024xf32> to vector<1024x1024xf32>
    %add3A_10 = arith.addf %dot_general3A_6, %add3A : vector<1024x1024xf32>
    %exp3A = math.exp %add3A_10 : vector<1024x1024xf32>
    %reduce_sum3A = arith.constant dense<0.000000e+00> : vector<1024xf32>
    %reduce_sum3A_11 = vector.multi_reduction <add>, %exp3A, %reduce_sum3A [1] : vector<1024x1024xf32> to vector<1024xf32>
    %add3A_12 = arith.addf %broadcast_in_dim3A_2, %reduce_sum3A_11 : vector<1024xf32>
    %get3A_13 = arith.constant 1024 : index
    %get3A_14 = arith.constant 0 : index
    %get3A_15 = vector.load %arg3[%get3A_13, %get3A_14] : memref<4096x64xbf16, #tpu.memory_space<vmem>>, vector<1024x64xbf16>
    %dot_general3A_16 = arith.constant dense<0.000000e+00> : vector<1024x1024xf32>
    %dot_general3A_17 = tpu.matmul %get3A_1, %get3A_15, %dot_general3A_16 {dimension_numbers = #tpu.dot_dimension_numbers<[1], [1], [0], [0], [0, 0, 1, 0], [], []>, transpose_lhs_hint = false} : vector<1024x64xbf16>, vector<1024x64xbf16>, vector<1024x1024xf32> -> vector<1024x1024xf32>
    %get3A_18 = arith.constant 0 : index
    %get3A_19 = arith.constant 1024 : index
    %get3A_20 = vector.load %arg4[%get3A_18, %get3A_19] : memref<1x4096xf32, #tpu.memory_space<vmem>>, vector<1x1024xf32>
    %add3A_21 = vector.broadcast %get3A_20 : vector<1x1024xf32> to vector<1024x1024xf32>
    %add3A_22 = arith.addf %dot_general3A_17, %add3A_21 : vector<1024x1024xf32>
    %exp3A_23 = math.exp %add3A_22 : vector<1024x1024xf32>
    %reduce_sum3A_24 = arith.constant dense<0.000000e+00> : vector<1024xf32>
    %reduce_sum3A_25 = vector.multi_reduction <add>, %exp3A_23, %reduce_sum3A_24 [1] : vector<1024x1024xf32> to vector<1024xf32>
    %add3A_26 = arith.addf %add3A_12, %reduce_sum3A_25 : vector<1024xf32>
    %get3A_27 = arith.constant 2048 : index
    %get3A_28 = arith.constant 0 : index
    %get3A_29 = vector.load %arg3[%get3A_27, %get3A_28] : memref<4096x64xbf16, #tpu.memory_space<vmem>>, vector<1024x64xbf16>
    %dot_general3A_30 = arith.constant dense<0.000000e+00> : vector<1024x1024xf32>
    %dot_general3A_31 = tpu.matmul %get3A_1, %get3A_29, %dot_general3A_30 {dimension_numbers = #tpu.dot_dimension_numbers<[1], [1], [0], [0], [0, 0, 1, 0], [], []>, transpose_lhs_hint = false} : vector<1024x64xbf16>, vector<1024x64xbf16>, vector<1024x1024xf32> -> vector<1024x1024xf32>
    %get3A_32 = arith.constant 0 : index
    %get3A_33 = arith.constant 2048 : index
    %get3A_34 = vector.load %arg4[%get3A_32, %get3A_33] : memref<1x4096xf32, #tpu.memory_space<vmem>>, vector<1x1024xf32>
    %add3A_35 = vector.broadcast %get3A_34 : vector<1x1024xf32> to vector<1024x1024xf32>
    %add3A_36 = arith.addf %dot_general3A_31, %add3A_35 : vector<1024x1024xf32>
    %exp3A_37 = math.exp %add3A_36 : vector<1024x1024xf32>
    %reduce_sum3A_38 = arith.constant dense<0.000000e+00> : vector<1024xf32>
    %reduce_sum3A_39 = vector.multi_reduction <add>, %exp3A_37, %reduce_sum3A_38 [1] : vector<1024x1024xf32> to vector<1024xf32>
    %add3A_40 = arith.addf %add3A_26, %reduce_sum3A_39 : vector<1024xf32>
    %get3A_41 = arith.constant 3072 : index
    %get3A_42 = arith.constant 0 : index
    %get3A_43 = vector.load %arg3[%get3A_41, %get3A_42] : memref<4096x64xbf16, #tpu.memory_space<vmem>>, vector<1024x64xbf16>
    %dot_general3A_44 = arith.constant dense<0.000000e+00> : vector<1024x1024xf32>
    %dot_general3A_45 = tpu.matmul %get3A_1, %get3A_43, %dot_general3A_44 {dimension_numbers = #tpu.dot_dimension_numbers<[1], [1], [0], [0], [0, 0, 1, 0], [], []>, transpose_lhs_hint = false} : vector<1024x64xbf16>, vector<1024x64xbf16>, vector<1024x1024xf32> -> vector<1024x1024xf32>
    %get3A_46 = arith.constant 0 : index
    %get3A_47 = arith.constant 3072 : index
    %get3A_48 = vector.load %arg4[%get3A_46, %get3A_47] : memref<1x4096xf32, #tpu.memory_space<vmem>>, vector<1x1024xf32>
    %add3A_49 = vector.broadcast %get3A_48 : vector<1x1024xf32> to vector<1024x1024xf32>
    %add3A_50 = arith.addf %dot_general3A_45, %add3A_49 : vector<1024x1024xf32>
    %exp3A_51 = math.exp %add3A_50 : vector<1024x1024xf32>
    %reduce_sum3A_52 = arith.constant dense<0.000000e+00> : vector<1024xf32>
    %reduce_sum3A_53 = vector.multi_reduction <add>, %exp3A_51, %reduce_sum3A_52 [1] : vector<1024x1024xf32> to vector<1024xf32>
    %add3A_54 = arith.addf %add3A_40, %reduce_sum3A_53 : vector<1024xf32>
    %reshape3A = vector.shape_cast %add3A_54 : vector<1024xf32> to vector<8x128xf32>
    %eq3A = arith.constant 0 : i32
    %eq3A_55 = arith.cmpi eq, %arg0, %eq3A : i32
    %eq3A_56 = arith.constant 0 : i32
    %eq3A_57 = arith.cmpi eq, %arg1, %eq3A_56 : i32
    %and3A = arith.andi %eq3A_55, %eq3A_57 : i1
    %convert_element_type3A = arith.extui %and3A : i1 to i32
    %cond3A = arith.constant 0 : i32
    %cond3A_58 = arith.cmpi ne, %convert_element_type3A, %cond3A : i32
    scf.if %cond3A_58 {
      %get3A_73 = arith.constant 0 : index
      %get3A_74 = arith.constant 0 : index
      %get3A_75 = vector.load %arg5[%get3A_73, %get3A_74] : memref<1x1xf32, #tpu.memory_space<vmem>>, vector<1x1xf32>
      %neg3A = arith.constant 0.000000e+00 : f32
      %neg3A_76 = vector.broadcast %neg3A : f32 to vector<1x1xf32>
      %neg3A_77 = arith.subf %neg3A_76, %get3A_75 : vector<1x1xf32>
      %mul3A = arith.constant 9.765625E-4 : f32
      %mul3A_78 = vector.broadcast %mul3A : f32 to vector<1x1xf32>
      %mul3A_79 = arith.mulf %neg3A_77, %mul3A_78 : vector<1x1xf32>
      %swap3A = arith.constant 0 : index
      %swap3A_80 = arith.constant 0 : index
      %swap3A_81 = vector.load %arg6[%swap3A, %swap3A_80] : memref<1x1xf32, #tpu.memory_space<vmem>>, vector<1x1xf32>
      tpu.vector_store %arg6[%swap3A, %swap3A_80], %mul3A_79 {strides = array<i32>} : memref<1x1xf32, #tpu.memory_space<vmem>>, vector<1x1xf32>,
    } else {
    }
    %eq3A_59 = arith.constant 0 : i32
    %eq3A_60 = arith.cmpi eq, %arg0, %eq3A_59 : i32
    %convert_element_type3A_61 = arith.extui %eq3A_60 : i1 to i32
    %cond3A_62 = arith.constant 0 : i32
    %cond3A_63 = arith.cmpi ne, %convert_element_type3A_61, %cond3A_62 : i32
    scf.if %cond3A_63 {
      %swap3A = arith.index_cast %arg1 : i32 to index
      %swap3A_73 = arith.constant 0 : index
      %swap3A_74 = arith.constant 0 : index
      %swap3A_75 = vector.load %arg7[%swap3A, %swap3A_73, %swap3A_74] : memref<19x8x128xf32, #tpu.memory_space<vmem>>, vector<1x8x128xf32>
      %swap3A_76 = vector.shape_cast %swap3A_75 : vector<1x8x128xf32> to vector<8x128xf32>
      %swap3A_77 = vector.shape_cast %reshape3A : vector<8x128xf32> to vector<1x8x128xf32>
      tpu.vector_store %arg7[%swap3A, %swap3A_73, %swap3A_74], %swap3A_77 {strides = array<i32>} : memref<19x8x128xf32, #tpu.memory_space<vmem>>, vector<1x8x128xf32>,
    } else {
    }
    %gt3A = arith.constant 0 : i32
    %gt3A_64 = arith.cmpi sgt, %arg0, %gt3A : i32
    %convert_element_type3A_65 = arith.extui %gt3A_64 : i1 to i32
    %cond3A_66 = arith.constant 0 : i32
    %cond3A_67 = arith.cmpi ne, %convert_element_type3A_65, %cond3A_66 : i32
    scf.if %cond3A_67 {
      %get3A_73 = arith.index_cast %arg1 : i32 to index
      %get3A_74 = arith.constant 0 : index
      %get3A_75 = arith.constant 0 : index
      %get3A_76 = vector.load %arg7[%get3A_73, %get3A_74, %get3A_75] : memref<19x8x128xf32, #tpu.memory_space<vmem>>, vector<1x8x128xf32>
      %get3A_77 = vector.shape_cast %get3A_76 : vector<1x8x128xf32> to vector<8x128xf32>
      %add3A_78 = arith.addf %get3A_77, %reshape3A : vector<8x128xf32>
      %swap3A = arith.index_cast %arg1 : i32 to index
      %swap3A_79 = arith.constant 0 : index
      %swap3A_80 = arith.constant 0 : index
      %swap3A_81 = vector.load %arg7[%swap3A, %swap3A_79, %swap3A_80] : memref<19x8x128xf32, #tpu.memory_space<vmem>>, vector<1x8x128xf32>
      %swap3A_82 = vector.shape_cast %swap3A_81 : vector<1x8x128xf32> to vector<8x128xf32>
      %swap3A_83 = vector.shape_cast %add3A_78 : vector<8x128xf32> to vector<1x8x128xf32>
      tpu.vector_store %arg7[%swap3A, %swap3A_79, %swap3A_80], %swap3A_83 {strides = array<i32>} : memref<19x8x128xf32, #tpu.memory_space<vmem>>, vector<1x8x128xf32>,
    } else {
    }
    %eq3A_68 = arith.constant 24 : i32
    %eq3A_69 = arith.cmpi eq, %arg0, %eq3A_68 : i32
    %convert_element_type3A_70 = arith.extui %eq3A_69 : i1 to i32
    %cond3A_71 = arith.constant 0 : i32
    %cond3A_72 = arith.cmpi ne, %convert_element_type3A_70, %cond3A_71 : i32
    scf.if %cond3A_72 {
      %get3A_73 = arith.index_cast %arg1 : i32 to index
      %get3A_74 = arith.constant 0 : index
      %get3A_75 = arith.constant 0 : index
      %get3A_76 = vector.load %arg7[%get3A_73, %get3A_74, %get3A_75] : memref<19x8x128xf32, #tpu.memory_space<vmem>>, vector<1x8x128xf32>
      %get3A_77 = vector.shape_cast %get3A_76 : vector<1x8x128xf32> to vector<8x128xf32>
      %log3A = math.log %get3A_77 : vector<8x128xf32>
      %get3A_78 = arith.constant 0 : index
      %get3A_79 = arith.constant 0 : index
      %get3A_80 = vector.load %arg6[%get3A_78, %get3A_79] : memref<1x1xf32, #tpu.memory_space<vmem>>, vector<1x1xf32>
      %reduce_sum3A_81 = vector.shape_cast %log3A : vector<8x128xf32> to vector<1x8x128xf32>
      %reduce_sum3A_82 = arith.constant dense<0.000000e+00> : vector<1xf32>
      %reduce_sum3A_83 = vector.multi_reduction <add>, %reduce_sum3A_81, %reduce_sum3A_82 [1, 2] : vector<1x8x128xf32> to vector<1xf32>
      %reduce_sum3A_84 = vector.shape_cast %reduce_sum3A_83 : vector<1xf32> to vector<1x1x1xf32>
      %reduce_sum3A_85 = vector.extract %reduce_sum3A_84[0, 0, 0] : f32 from vector<1x1x1xf32>
      %broadcast_in_dim3A_86 = vector.broadcast %reduce_sum3A_85 : f32 to vector<1x1xf32>
      %mul3A = arith.constant 9.765625E-4 : f32
      %mul3A_87 = vector.broadcast %mul3A : f32 to vector<1x1xf32>
      %mul3A_88 = arith.mulf %broadcast_in_dim3A_86, %mul3A_87 : vector<1x1xf32>
      %add3A_89 = arith.addf %get3A_80, %mul3A_88 : vector<1x1xf32>
      %swap3A = arith.constant 0 : index
      %swap3A_90 = arith.constant 0 : index
      %swap3A_91 = vector.load %arg6[%swap3A, %swap3A_90] : memref<1x1xf32, #tpu.memory_space<vmem>>, vector<1x1xf32>
      tpu.vector_store %arg6[%swap3A, %swap3A_90], %add3A_89 {strides = array<i32>} : memref<1x1xf32, #tpu.memory_space<vmem>>, vector<1x1xf32>,
    } else {
    }
    return
  }
  func.func @transform_0(%arg0: i32, %arg1: i32) -> (i32, i32) {
    %c0_i32 = arith.constant 0 : i32
    %c0_i32_0 = arith.constant 0 : i32
    return %arg1, %c0_i32 : i32, i32
  }
  func.func @transform_1(%arg0: i32, %arg1: i32) -> (i32, i32) {
    %c0_i32 = arith.constant 0 : i32
    %c0_i32_0 = arith.constant 0 : i32
    return %arg0, %c0_i32 : i32, i32
  }
  func.func @transform_2(%arg0: i32, %arg1: i32) -> (i32, i32) {
    %c0_i32 = arith.constant 0 : i32
    %c0_i32_0 = arith.constant 0 : i32
    return %c0_i32, %arg0 : i32, i32
  }
  func.func @transform_3(%arg0: i32, %arg1: i32) -> (i32, i32) {
    %c0_i32 = arith.constant 0 : i32
    %c0_i32_0 = arith.constant 0 : i32
    %c0_i32_1 = arith.constant 0 : i32
    return %c0_i32, %c0_i32_0 : i32, i32
  }
  func.func @transform_4(%arg0: i32, %arg1: i32) -> (i32, i32) {
    %c0_i32 = arith.constant 0 : i32
    %c0_i32_0 = arith.constant 0 : i32
    %c0_i32_1 = arith.constant 0 : i32
    return %c0_i32, %c0_i32_0 : i32, i32
  }
}

</mosaic_0001>

<sc_bundles>
// kernel: kernel.5.cloned.1.call-start
scs
__scs_entry_jumppad:
0x0: {  	(pc) =	sbr.rel $0x88, $3  }
0x1: {  	(tag) =	ssettag $0x0;
	lr =	simm.s32 $0x1  }
0x2: {  	[smem:$0x3F93] =	sst lr;
	_ =	strace $0xD0000000  }
0x3: {  	_ = 	snop  }
0x4: {  	_ = 	snop  }
0x5: {  	_ = 	snop  }
0x6: {  	_ = 	snop  }
0x7: {  	_ = 	snop  }
__scs_overlays_trampoline_lowered:
0x8: {  	[smem:$0x3FA2] =	sst s0  }
0x9: {  	[smem:$0x3FA3] =	sst s1  }
0xa: {  	[smem:$0x3FA4] =	sst s2  }
0xb: {  	[smem:$0x3FA5] =	sst s3  }
0xc: {  	[smem:$0x3FA6] =	sst s4  }
0xd: {  	[smem:$0x3FA7] =	sst s5  }
0xe: {  	[smem:$0x3FA8] =	sst s6  }
0xf: {  	[smem:$0x3FA9] =	sst s7  }
0x10: {  	[smem:$0x3FAA] =	sst s8  }
0x11: {  	[smem:$0x3FAB] =	sst s9;
	s0 =	simm.s32 @!p0 $0x0  }
0x12: {  	s1 =	sld [smem:$0x3F91];
	s0 =	simm.s32 @p0 $0x1  }
0x13: {  	[smem:$0x3FAC] =	sst s0;
	s0 =	simm.s32 @!p1 $0x0  }
0x14: {  	s2 =	sld [smem:$0x3F90];
	s0 =	simm.s32 @p1 $0x1  }
0x15: {  	[smem:$0x3FAD] =	sst s0;
	s0 =	simm.s32 @!p2 $0x0  }
0x16: {  	s3 =	sld [smem:$0x3FDB];
	s0 =	simm.s32 @p2 $0x1  }
0x17: {  	s4 =	simm.s32 $0x1BF5;
	[smem:$0x3FAF] =	sst s0  }
0x18: {  	s0 =	sld [smem:$0x3F92];
	_ =	swait.ge [sflag:s4], $0x0  }
0x19: {  	s7 =	sld [smem:$0x3F93]  }
0x1a: {  	s8 =	sadd.s32 $0xFFFFE003, lr  }
0x1b: {  	s9 =	sadd.s32 $0xFFFFFEF7, lr;
	s5 =	simm.s32 $0xFFFFFFFF;
	p2 =	slt.u32 s8, $0xFFFFF086  }
0x1c: {  	p1 =	slt.u32 s9, $0xF7A;
	s5 =	simm.s32 @!p2 $0x0  }
0x1d: {  	s5 =	simm.s32 @p1 $0x1;
	p0 =	seq.s32 s7, s2  }
0x1e: {  	s7 =	smul.u32 @!p0 $0xF7A, s2;
	p2 =	seq.s32 @!p0 s5, $0x0  }
0x1f: {  	s9 =	smul.u32 $0xF7A, s1;
	s8 =	simm.s32 @!p0 $0x1BF5;
	p2 =	por !p2, p0  }
0x20: {  	[sflag:s8] =	ssyncset.s32 @!p0 $0xFFFFF086;
	s6 =	sadd.s32 @!p0 s3, s7;
	s7 =	simm.s32 @!p0 $0x108  }
0x21: {  	s3 =	sadd.s32 s3, s9;
	s6 =	sadd.s32 @!p0 $0x88, s6;
	s7 =	simm.s32 @p2 $0x1082  }
0x22: {  	[simem:s7], [sflag:s8] =	dma.local @!p0 [hbm:s6], $0xF7A  }
0x23: {  	s9 =	sor.u32 $0xD0000000, s2;
	s6 =	simm.s32 $0x108;
	_ =	swait.ge @!p0 [sflag:s8], $0x0  }
0x24: {  	s3 =	sadd.s32 $0x88, s3;
	s6 =	simm.s32 @!p1 $0x1082;
	[sflag:s4] =	ssyncset.s32 $0xFFFFF086  }
0x25: {  	[simem:s6], [sflag:s4] =	dma.local [hbm:s3], $0xF7A  }
0x26: {  	[smem:$0x3F93] =	sst s1;
	(tag) =	ssettag s2;
	_ =	strace s9  }
0x27: {  	s1 =	sld [smem:$0x3FA3]  }
0x28: {  	s2 =	sld [smem:$0x3FA4]  }
0x29: {  	s4 =	sld [smem:$0x3FA6]  }
0x2a: {  	p0 =	seq.s32 s5, $0x0;
	s5 =	sld [smem:$0x3FA7]  }
0x2b: {  	s6 =	sld [smem:$0x3FA8]  }
0x2c: {  	s7 =	sld [smem:$0x3FA9]  }
0x2d: {  	s3 =	simm.s32 $0x108;
	s8 =	sld [smem:$0x3FAA]  }
0x2e: {  	s3 =	simm.s32 @!p0 $0x1082;
	s9 =	sld [smem:$0x3FAB]  }
0x2f: {  	lr =	sadd.s32 s0, s3;
	s0 =	sld [smem:$0x3FA2]  }
0x30: {  	s3 =	sld [smem:$0x3FA5]  }
0x31: {  	[smem:$0x3FAE] =	sst s10  }
0x32: {  	s10 =	sld [smem:$0x3FAC];
	_ =	sdelay $0x3  }
0x33: {  	p0 =	seq.s32 s10, $0x1;
	s10 =	sld [smem:$0x3FAE];
	_ =	sdelay $0x3  }
0x34: {  	[smem:$0x3FAE] =	sst s10  }
0x35: {  	s10 =	sld [smem:$0x3FAD];
	_ =	sdelay $0x3  }
0x36: {  	p1 =	seq.s32 s10, $0x1;
	s10 =	sld [smem:$0x3FAE];
	_ =	sdelay $0x3  }
0x37: {  	[smem:$0x3FAE] =	sst s10  }
0x38: {  	s10 =	sld [smem:$0x3FAF]  }
0x39: {  	_ = 	snop;
	(pc) =	sbr.ind lr, $3  }
0x3a: {  	_ = 	snop  }
0x3b: {  	_ = 	snop  }
0x3c: {  	p2 =	seq.s32 s10, $0x1;
	s10 =	sld [smem:$0x3FAE]  }
0x3d: {  	_ =	shalt  }
0x3e: {  	_ =	shalt  }
0x3f: {  	_ =	shalt  }
0x40: {  	_ =	shalt  }
0x41: {  	_ =	shalt  }
0x42: {  	_ =	shalt  }
0x43: {  	_ =	shalt  }
0x44: {  	_ =	shalt  }
0x45: {  	_ =	shalt  }
0x46: {  	_ =	shalt  }
0x47: {  	_ =	shalt  }
0x48: {  	_ =	shalt  }
0x49: {  	_ =	shalt  }
0x4a: {  	_ =	shalt  }
0x4b: {  	_ =	shalt  }
0x4c: {  	_ =	shalt  }
0x4d: {  	_ =	shalt  }
0x4e: {  	_ =	shalt  }
0x4f: {  	_ =	shalt  }
0x50: {  	_ =	shalt  }
0x51: {  	_ =	shalt  }
0x52: {  	_ =	shalt  }
0x53: {  	_ =	shalt  }
0x54: {  	_ =	shalt  }
0x55: {  	_ =	shalt  }
0x56: {  	_ =	shalt  }
0x57: {  	_ =	shalt  }
0x58: {  	_ =	shalt  }
0x59: {  	_ =	shalt  }
0x5a: {  	_ =	shalt  }
0x5b: {  	_ =	shalt  }
0x5c: {  	_ =	shalt  }
0x5d: {  	_ =	shalt  }
0x5e: {  	_ =	shalt  }
0x5f: {  	_ =	shalt  }
0x60: {  	_ =	shalt  }
0x61: {  	_ =	shalt  }
0x62: {  	_ =	shalt  }
0x63: {  	_ =	shalt  }
0x64: {  	_ =	shalt  }
0x65: {  	_ =	shalt  }
0x66: {  	_ =	shalt  }
0x67: {  	_ =	shalt  }
0x68: {  	_ =	shalt  }
0x69: {  	_ =	shalt  }
0x6a: {  	_ =	shalt  }
0x6b: {  	_ =	shalt  }
0x6c: {  	_ =	shalt  }
0x6d: {  	_ =	shalt  }
0x6e: {  	_ =	shalt  }
0x6f: {  	_ =	shalt  }
0x70: {  	_ =	shalt  }
0x71: {  	_ =	shalt  }
0x72: {  	_ =	shalt  }
0x73: {  	_ =	shalt  }
0x74: {  	_ =	shalt  }
0x75: {  	_ =	shalt  }
0x76: {  	_ =	shalt  }
0x77: {  	_ =	shalt  }
0x78: {  	_ =	shalt  }
0x79: {  	_ =	shalt  }
0x7a: {  	_ =	shalt  }
0x7b: {  	_ =	shalt  }
0x7c: {  	_ =	shalt  }
0x7d: {  	_ =	shalt  }
0x7e: {  	_ =	shalt  }
0x7f: {  	_ =	shalt  }
0x80: {  	_ =	shalt  }
0x81: {  	_ =	shalt  }
0x82: {  	_ =	shalt  }
0x83: {  	_ =	shalt  }
0x84: {  	_ =	shalt  }
0x85: {  	_ =	shalt  }
0x86: {  	_ =	shalt  }
0x87: {  	_ =	shalt  }
.Lfunc_end0:
.L_simem_size_0:
called_computation_lowered:
.L_overlay_start_0:
0x88: {  	s2 =	sld [smem:$0x3FD9]  }
0x89: {  	s3 =	sld [smem:$0x3FFE];
	_ =	sdelay $0x1  }
0x8a: {  	s1 =	srdreg.scid  }
0x8b: {  	s0 =	sand.u32 $0x1, s1  }
0x8c: {  	s16 =	sshll.u32 s0, $0xA;
	s2 =	sadd.s32 s3, s2  }
0x8d: {  	s2 =	sadd.s32 s2, s16  }
0x8e: {  	[smem:$0x3FBA] =	sst s2  }
0x8f: {  	_ = 	snop  }
0x90: {  	(tm) =	ssettm $0x1  }
0x91: {  	s17 =	sld [smem:$0x3FFB];
	_ =	sdelay $0x3  }
0x92: {  	_ =	strace s17  }
0x93: {  	s2 =	sld [smem:$0x3FFC];
	_ =	sdelay $0x3  }
0x94: {  	_ =	strace s2  }
0x95: {  	s2 =	sld [smem:$0x3FFD];
	_ =	sdelay $0x3  }
0x96: {  	_ =	strace s2  }
0x97: {  	_ =	strace $0x8FFFFFFF  }
0x98: {  	s18 =	sld [smem:$0x3FDB];
	_ =	sdelay $0x1  }
0x99: {  	s19 =	simm.s32 $_scs_section_size  }
0x9a: {  	s4 =	simm.s32 $_size__tile_overlayer_lowered;
	s5 =	simm.s32 $_tile_overlayer_lowered  }
0x9b: {  	s22 =	simm.s32 $0x1BFF;
	s21 =	sshll.u32 s5, $0x1;
	s2 =	sadd.s32 s19, s18  }
0x9c: {  	s6 =	simm.s32 $0x0;
	s20 =	sshll.u32 s4, $0x1;
	s4 =	sadd.s32 s21, s2  }
0x9d: {  	[timem:s6], [sflag:s22] =	dma.local [hbm:s4], s20  }
0x9e: {  	_ =	swait.ge [sflag:s22], s20  }
0x9f: {  	s3 =	ssub.s32 $0x0, s20;
	[sflag:s22] =	ssyncset.done $0x0  }
0xa0: {  	[sflag:s22] =	ssyncadd.s32 s3;
	_ =	sdelay $0x1  }
0xa1: {  	s23 =	simm.s32 $0x1B8B  }
0xa2: {  	_ =	swait.ge [sflag:s23], $0x1  }
0xa3: {  	[sflag:s23] =	ssyncset.done $0x0  }
0xa4: {  	s25 =	simm.s32 $0x1B8E;
	s24 =	sld [smem:$0x3FFE];
	[sflag:s23] =	ssyncadd.s32 $0xFFFFFFFF  }
0xa5: {  	s26 =	simm.s32 $execute0_lowered;
	[smem:$0x3FD2] =	sst s25  }
0xa6: {  	s4 =	sshll.u32 s26, $0x1;
	_ =	strace $0x80000046;
	[dreg:$0x1] =	wrdreg $0xFFFFFFFF  }
0xa7: {  	s28 =	simm.s32 $_size_execute0_lowered;
	s2 =	sadd.s32 s2, s4;
	[dreg:$0x0] =	wrdreg $0x0  }
0xa8: {  	s4 =	sshll.u32 s28, $0x1;
	[dreg:$0x2] =	wrdreg s2  }
0xa9: {  	[dreg:$0x3] =	wrdreg s4  }
0xaa: {  	[dreg:$0x4] =	wrdreg $0xC0  }
0xab: {  	_ =	task [dreg:s6], $0x5FFFF  }
0xac: {  	[dreg:$0x1] =	wrdreg $0xFFFFFFFF  }
0xad: {  	[dreg:$0x0] =	wrdreg $0x60  }
0xae: {  	[dreg:$0x2] =	wrdreg s24  }
0xaf: {  	[dreg:$0x3] =	wrdreg $0x9  }
0xb0: {  	_ =	task.clear_ibuf [dreg:s6], $0x4FFFF;
	_ =	strace $0x90000046  }
0xb1: {  	s29 =	simm.s32 $0x9;
	_ =	strace $0x80000048  }
0xb2: {  	_ =	swait.ge [sflag:s29], $0x1  }
0xb3: {  	[sflag:s29] =	ssyncadd.s32 $0xFFFFFFFF  }
0xb4: {  	_ =	strace $0x90000048  }
0xb5: {  	_ =	sfence  }
0xb6: {  	s30 =	sld [smem:$0x0];
	_ =	sdelay $0x2  }
0xb7: {  	s31 =	sshll.u32 s1, $0xD;
	s1 =	sshrl.u32 s1, $0x2  }
0xb8: {  	s3 =	sand.u32 $0x4000, s31;
	s1 =	sadd.s32 s1, s30  }
0xb9: {  	s0 =	sor.u32 s3, s0;
	s1 =	sshll.u32 s1, $0x11  }
0xba: {  	s0 =	sor.u32 s1, s0  }
0xbb: {  	s0 =	sadd.s32 $0x8F2B, s0  }
0xbc: {  	[sflag:s0] =	ssyncadd.remote.s32 $0x1  }
0xbd: {  	_ =	sfence.sel $0xFFFF  }
0xbe: {  	[dreg:$0x0] =	wrdreg $0xFFFFFFFF;
	(pc) =	sbr.abs _section_cstart, $3  }
0xbf: {  	[dreg:$0x1] =	wrdreg $0xFFFFFFFF  }
0xc0: {  	_ =	task.clear_ibuf [dreg:s6], $0x2FFFF;
	_ =	strace $0x9FFFFFFF  }
0xc1: {  	(tm) =	ssettm $0x7FFFFFFF  }
tec
execute0_lowered:
.L_overlay_start_1:
0x0: {  	(tag) =	ssettag $0x1  }
0x1: {  	s1 =	srdreg.scid;
	s0 =	stileid.u32  }
0x2: {  	s21 =	sand.u32 $0x1, s1;
	s29 =	sshll.u32 s0, $0x1  }
0x3: {  	s23 =	sor.u32 s21, s29  }
0x4: {  	s22 =	rddreg [dreg:$0x0];
	s2 =	simm.s32 $0x0;
	s3 =	smul.u32 $0x50, s23  }
0x5: {  	[smem:$0x7FF] =	sst s2  }
0x6: {  	s1 =	rddreg [dreg:$0x1];
	_ =	strace $0x80000047;
	s3 =	sadd.s32 s3, s22  }
0x7: {  	s5 =	smul.u32 $0x4C, s23;
	s4 =	sadd.s32 $0x4000, s3;
	s3 =	simm.s32 $0x2  }
0x8: {  	[tilespmem:s2], [sflag:$0x2] =	stream.linear.gather [hbm4b:s4+s2], $0x280, $0x38;
	[tilespmem:$0x1FD40] =	vst v63  }
0x9: {  	_ =	swait.ge [sflag:s3], $0x280  }
0xa: {  	s7 =	sadd.s32 s5, s22;
	[sflag:s3] =	ssyncset.done $0x0  }
0xb: {  	s6 =	simm.s32 $0x280;
	s5 =	sadd.s32 $0x4A00, s7;
	[sflag:s3] =	ssyncadd.s32 $0xFFFFFD80  }
0xc: {  	[tilespmem:s6], [sflag:$0x2] =	stream.linear.gather [hbm4b:s5+s2], $0x260, $0x38;
	[tilespmem:$0x1FD40] =	vst v63  }
0xd: {  	_ =	swait.ge [sflag:s3], $0x260  }
0xe: {  	[sflag:s3] =	ssyncset.done $0x0  }
0xf: {  	s8 =	simm.s32 $0x4E0;
	s7 =	sadd.s32 $0x5400, s7;
	[sflag:s3] =	ssyncadd.s32 $0xFFFFFDA0  }
0x10: {  	[tilespmem:s8], [sflag:$0x2] =	stream.linear.gather [hbm4b:s7+s2], $0x260, $0x38;
	[tilespmem:$0x1FD40] =	vst v63  }
0x11: {  	_ =	swait.ge [sflag:s3], $0x260  }
0x12: {  	s10 =	simm.s32 $0x740;
	[sflag:s3] =	ssyncset.done $0x0  }
0x13: {  	s11 =	simm.s32 $0x1;
	s9 =	sadd.s32 $0x18AA00, s22;
	[sflag:s3] =	ssyncadd.s32 $0xFFFFFDA0  }
0x14: {  	[tilespmem:s10], [sflag:$0x1] =	stream.indirect.gather [hbm4b:s9+s6], $0x40, s2, s6, $0xb8;
	[tilespmem:$0x1FD40] =	vst v63  }
0x15: {  	_ =	swait.ge [sflag:s11], $0xA000  }
0x16: {  	s13 =	simm.s32 $0x260;
	[sflag:s11] =	ssyncset.done $0x0  }
0x17: {  	s14 =	simm.s32 $0xA740;
	s12 =	sadd.s32 $0x24E000, s22;
	[sflag:s11] =	ssyncadd.s32 $0xFFFF6000  }
0x18: {  	[tilespmem:s14], [sflag:$0x1] =	stream.indirect.gather [hbm4b:s12+s13], $0x40, s6, s13, $0xb8;
	[tilespmem:$0x1FD40] =	vst v63  }
0x19: {  	_ =	swait.ge [sflag:s11], $0x9800  }
0x1a: {  	[sflag:s11] =	ssyncset.done $0x0  }
0x1b: {  	s16 =	simm.s32 $0x13F40;
	s15 =	sadd.s32 $0x311600, s22;
	[sflag:s11] =	ssyncadd.s32 $0xFFFF6800  }
0x1c: {  	[tilespmem:s16], [sflag:$0x1] =	stream.indirect.gather [hbm4b:s15+s13], $0x40, s8, s13, $0xb8;
	[tilespmem:$0x1FD40] =	vst v63  }
0x1d: {  	_ =	swait.ge [sflag:s11], $0x9800  }
0x1e: {  	s18 =	simm.s32 $0x1D740;
	[sflag:s11] =	ssyncset.done $0x0  }
0x1f: {  	s17 =	sadd.s32 $0x3D4C00, s22;
	s19 =	smul.u32 $0x1400, s23;
	[sflag:s11] =	ssyncadd.s32 $0xFFFF6800  }
0x20: {  	[tilespmem:s18], [sflag:$0x1] =	stream.indirect.gather [hbm4b:s17+s13], $0x10, s8, s13, $0xb8;
	[tilespmem:$0x1FD40] =	vst v63  }
0x21: {  	_ =	swait.ge [sflag:s11], $0x2600  }
0x22: {  	s19 =	sadd.s32 s19, s22;
	[sflag:s11] =	ssyncset.done $0x0  }
0x23: {  	s20 =	smul.u32 $0x1300, s23;
	s19 =	sadd.s32 $0x5E00, s19;
	[sflag:s11] =	ssyncadd.s32 $0xFFFFDA00  }
0x24: {  	[hbm4b:s19+s2] =	stream.linear.scatter [tilespmem:s10], [sflag:$0x2], $0xA000, $0x38;
	[tilespmem:$0x1FD40] =	vst v63  }
0x25: {  	_ =	swait.ge [sflag:s3], $0xA000  }
0x26: {  	s25 =	ssub.s32 $0x2, s21;
	s24 =	sadd.s32 s20, s22;
	[sflag:s3] =	ssyncset.done $0x0  }
0x27: {  	s23 =	smul.u32 $0x4C0, s23;
	s20 =	sadd.s32 $0x2DE00, s24;
	[sflag:s3] =	ssyncadd.s32 $0xFFFF6000  }
0x28: {  	[hbm4b:s20+s2] =	stream.linear.scatter [tilespmem:s14], [sflag:$0x2], $0x9800, $0x38;
	[tilespmem:$0x1FD40] =	vst v63  }
0x29: {  	s30 =	sshrl.u32 s25, $0x1;
	_ =	swait.ge [sflag:s3], $0x9800  }
0x2a: {  	s31 =	ssub.s32 s25, s30;
	s22 =	sadd.s32 s23, s22;
	[sflag:s3] =	ssyncset.done $0x0  }
0x2b: {  	s23 =	smax.u32 s31, $0x1;
	s21 =	sadd.s32 $0x53E00, s24;
	[sflag:s3] =	ssyncadd.s32 $0xFFFF6800  }
0x2c: {  	[hbm4b:s21+s2] =	stream.linear.scatter [tilespmem:s16], [sflag:$0x2], $0x9800, $0x38;
	[tilespmem:$0x1FD40] =	vst v63  }
0x2d: {  	p0 =	sne.s32 s23, $0x1;
	_ =	swait.ge [sflag:s3], $0x9800  }
.Ltmp0:
0x2e: {  	[sflag:s3] =	ssyncset.done $0x0;
	(pc) =	sbr.rel @!p0 .LBB2_2-.Ltmp0, $4  }
0x2f: {  	s22 =	sadd.s32 $0x79E00, s22;
	[sflag:s3] =	ssyncadd.s32 $0xFFFF6800  }
0x30: {  	[hbm4b:s22+s2] =	stream.linear.scatter [tilespmem:s18], [sflag:$0x2], $0x2600, $0x38;
	[tilespmem:$0x1FD40] =	vst v63  }
0x31: {  	_ =	swait.ge [sflag:s3], $0x2600  }
0x32: {  	s23 =	sadd.s32 $0xFFFFFFFF, s23;
	[sflag:s3] =	ssyncset.done $0x0  }
.LBB2_1:
0x33: {  	p0 =	sne.s32 s23, $0x1;
	s23 =	sadd.s32 $0xFFFFFFFF, s23;
	[sflag:s3] =	ssyncadd.s32 $0xFFFFDA00  }
0x34: {  	[tilespmem:s2], [sflag:$0x2] =	stream.linear.gather [hbm4b:s4+s2], $0x280, $0x38;
	[tilespmem:$0x1FD40] =	vst v63  }
0x35: {  	_ =	swait.ge [sflag:s3], $0x280  }
0x36: {  	[sflag:s3] =	ssyncset.done $0x0  }
0x37: {  	[sflag:s3] =	ssyncadd.s32 $0xFFFFFD80  }
0x38: {  	[tilespmem:s6], [sflag:$0x2] =	stream.linear.gather [hbm4b:s5+s2], $0x260, $0x38;
	[tilespmem:$0x1FD40] =	vst v63  }
0x39: {  	_ =	swait.ge [sflag:s3], $0x260  }
0x3a: {  	[sflag:s3] =	ssyncset.done $0x0  }
0x3b: {  	[sflag:s3] =	ssyncadd.s32 $0xFFFFFDA0  }
0x3c: {  	[tilespmem:s8], [sflag:$0x2] =	stream.linear.gather [hbm4b:s7+s2], $0x260, $0x38;
	[tilespmem:$0x1FD40] =	vst v63  }
0x3d: {  	_ =	swait.ge [sflag:s3], $0x260  }
0x3e: {  	[sflag:s3] =	ssyncset.done $0x0  }
0x3f: {  	[sflag:s3] =	ssyncadd.s32 $0xFFFFFDA0  }
0x40: {  	[tilespmem:s10], [sflag:$0x1] =	stream.indirect.gather [hbm4b:s9+s6], $0x40, s2, s6, $0xb8;
	[tilespmem:$0x1FD40] =	vst v63  }
0x41: {  	_ =	swait.ge [sflag:s11], $0xA000  }
0x42: {  	[sflag:s11] =	ssyncset.done $0x0  }
0x43: {  	[sflag:s11] =	ssyncadd.s32 $0xFFFF6000  }
0x44: {  	[tilespmem:s14], [sflag:$0x1] =	stream.indirect.gather [hbm4b:s12+s13], $0x40, s6, s13, $0xb8;
	[tilespmem:$0x1FD40] =	vst v63  }
0x45: {  	_ =	swait.ge [sflag:s11], $0x9800  }
0x46: {  	[sflag:s11] =	ssyncset.done $0x0  }
0x47: {  	[sflag:s11] =	ssyncadd.s32 $0xFFFF6800  }
0x48: {  	[tilespmem:s16], [sflag:$0x1] =	stream.indirect.gather [hbm4b:s15+s13], $0x40, s8, s13, $0xb8;
	[tilespmem:$0x1FD40] =	vst v63  }
0x49: {  	_ =	swait.ge [sflag:s11], $0x9800  }
0x4a: {  	[sflag:s11] =	ssyncset.done $0x0  }
0x4b: {  	[sflag:s11] =	ssyncadd.s32 $0xFFFF6800  }
0x4c: {  	[tilespmem:s18], [sflag:$0x1] =	stream.indirect.gather [hbm4b:s17+s13], $0x10, s8, s13, $0xb8;
	[tilespmem:$0x1FD40] =	vst v63  }
0x4d: {  	_ =	swait.ge [sflag:s11], $0x2600  }
0x4e: {  	[sflag:s11] =	ssyncset.done $0x0  }
0x4f: {  	[sflag:s11] =	ssyncadd.s32 $0xFFFFDA00  }
0x50: {  	[hbm4b:s19+s2] =	stream.linear.scatter [tilespmem:s10], [sflag:$0x2], $0xA000, $0x38;
	[tilespmem:$0x1FD40] =	vst v63  }
0x51: {  	_ =	swait.ge [sflag:s3], $0xA000  }
0x52: {  	[sflag:s3] =	ssyncset.done $0x0  }
0x53: {  	[sflag:s3] =	ssyncadd.s32 $0xFFFF6000  }
0x54: {  	[hbm4b:s20+s2] =	stream.linear.scatter [tilespmem:s14], [sflag:$0x2], $0x9800, $0x38;
	[tilespmem:$0x1FD40] =	vst v63  }
0x55: {  	_ =	swait.ge [sflag:s3], $0x9800  }
0x56: {  	[sflag:s3] =	ssyncset.done $0x0  }
0x57: {  	[sflag:s3] =	ssyncadd.s32 $0xFFFF6800  }
0x58: {  	[hbm4b:s21+s2] =	stream.linear.scatter [tilespmem:s16], [sflag:$0x2], $0x9800, $0x38;
	[tilespmem:$0x1FD40] =	vst v63  }
0x59: {  	_ =	swait.ge [sflag:s3], $0x9800  }
.Ltmp1:
0x5a: {  	[sflag:s3] =	ssyncset.done $0x0;
	(pc) =	sbr.rel @p0 .LBB2_1-.Ltmp1, $4  }
0x5b: {  	[sflag:s3] =	ssyncadd.s32 $0xFFFF6800  }
0x5c: {  	[hbm4b:s22+s2] =	stream.linear.scatter [tilespmem:s18], [sflag:$0x2], $0x2600, $0x38;
	[tilespmem:$0x1FD40] =	vst v63  }
0x5d: {  	_ =	swait.ge [sflag:s3], $0x2600  }
0x5e: {  	[sflag:s3] =	ssyncset.done $0x0  }
.LBB2_2:
0x5f: {  	[sflag:s3] =	ssyncadd.s32 $0xFFFFDA00  }
0x60: {  	_ =	sfence.sel $0x180000  }
0x61: {  	[bflag:$0x0] =	sbarrier.arrive $0xFFFF  }
0x62: {  	p0 =	sne.s32 s0, $0x0;
	_ =	strace $0x90000047  }
0x63: {  	s0 =	sadd.s32 @!p0 $0x100000, s1;
	[bflag:$0x2] =	sbarrier.arrive $0xFFFF  }
0x64: {  	[sflag:s0] =	ssyncadd.tile.s32 @!p0 $0x1;
	_ =	shalt  }
.Lfunc_end2:
_tile_overlayer_lowered:
.L_overlay_start_2:
0x65: {  	(tag) =	ssettag $0x2  }
0x66: {  	s0 =	rddreg [dreg:$0x0];
	s2 =	stileid.u32  }
0x67: {  	s1 =	rddreg [dreg:$0x1];
	p0 =	sne.s32 s2, $0x0  }
0x68: {  	s3 =	rddreg [dreg:$0x2];
	[bflag:$0x3] =	sbarrier.arrive $0xFFFF;
	s2 =	simm.s32 @!p0 $0x1C02  }
0x69: {  	[timem:s3], [sflag:s2] =	dma.local @!p0 [hbm:s0], s1  }
0x6a: {  	s0 =	simm.s32 @!p0 $0x2  }
0x6b: {  	_ =	swait.ge @!p0 [sflag:s0], s1  }
0x6c: {  	s1 =	ssub.s32 @!p0 $0x0, s1;
	[sflag:s0] =	ssyncset.done @!p0 $0x0  }
0x6d: {  	[sflag:s0] =	ssyncadd.s32 @!p0 s1  }
0x6e: {  	[bflag:$0x3] =	sbarrier.arrive $0xFFFF  }
0x6f: {  	_ =	shalt  }

</sc_bundles>
